<compile_context>
chip_gen: v7x
topology: tpu7x:2x2x1
jax: 0.10.2.dev20260603
libtpu: 0.0.44.dev20260713+nightly
codegen_flags: <defaults>
</compile_context>

<pallas_src>
import numpy as np
import jax
import jax.numpy as jnp
from jax import lax
from jax.experimental import pallas as pl
from jax.experimental.pallas import tpu as pltpu
from jax.experimental.pallas import tpu_sc as plsc

N_OBS = 1_000_000
N_STATES = 16
BATCH = 4096
HIST = 200

NW = 32
BW = BATCH // NW

NBUCKET = 4096
K1 = float(np.log(2.0) / (1 << 23))

_i = np.arange(NBUCKET, dtype=np.float64)
_m0 = 1.0 + _i / NBUCKET
_m1 = 1.0 + (_i + 1.0) / NBUCKET
_c = lambda m: np.log2(m) - (m - 1.0)
_TD = np.asarray(((_c(_m0) + _c(_m1)) * 0.5 - 127.0) * np.log(2.0),
                 dtype=np.float32)


def _sc_body(xT_hbm, probs_hbm, td_hbm, out_hbm,
             idx_v, rows_v, tbuf_v, td_v,
             gsem0, gsem1, osem0, osem1):
    gsems = (gsem0, gsem1)
    osems = (osem0, osem1)
    wid = lax.axis_index("s") * 2 + lax.axis_index("c")
    b0 = wid * BW

    pltpu.sync_copy(td_hbm, td_v)
    pltpu.sync_copy(xT_hbm.at[:, pl.ds(b0, BW)], idx_v)

    def fire(h, slot):
        pltpu.async_copy(probs_hbm.at[idx_v.at[h]], rows_v.at[slot],
                         gsems[slot])

    def wait_gather(h, slot):
        pltpu.make_async_copy(probs_hbm.at[idx_v.at[h]], rows_v.at[slot],
                              gsems[slot]).wait()

    def wait_out(slot):
        pltpu.make_async_copy(tbuf_v.at[slot, pl.ds(0, 8)],
                              out_hbm.at[0, 0, 0], osems[slot]).wait()

    lane = lax.iota(jnp.int32, 16)

    fire(0, 0)

    def pair_body(p, carry):
        for s in range(2):
            h = 2 * p + s
            if s == 0:
                fire(h + 1, 1)
            else:
                @pl.when(p + 1 < HIST // 2)
                def _():
                    fire(h + 1, 0)

            wait_gather(h, s)

            @pl.when(p >= 1)
            def _():
                wait_out(s)
                wait_out(s)

            def row_body(p16, carry2):
                ress = []
                for u in range(16):
                    v = rows_v[s, p16 * 16 + u]
                    xi = plsc.bitcast(v, jnp.int32)
                    d = plsc.load_gather(
                        td_v,
                        [jnp.bitwise_and(jnp.right_shift(xi, 11), 4095)])
                    ress.append(xi.astype(jnp.float32) * K1 + d)
                for u in range(16):
                    plsc.store_scatter(
                        tbuf_v.at[s],
                        [lane, jnp.full((16,), p16 * 16 + u, jnp.int32)],
                        ress[u])
                return carry2

            lax.fori_loop(0, BW // 16, row_body, 0)

            for ti in range(2):
                pltpu.async_copy(tbuf_v.at[s, pl.ds(ti * 8, 8)],
                                 out_hbm.at[h, ti, wid], osems[s])
        return carry

    lax.fori_loop(0, HIST // 2, pair_body, 0)
    for s in range(2):
        wait_out(s)
        wait_out(s)


@jax.jit
def kernel(x, probs):
    xT = x.T
    mesh = plsc.VectorSubcoreMesh(core_axis_name="c", subcore_axis_name="s")
    out5 = pl.kernel(
        _sc_body,
        out_type=jax.ShapeDtypeStruct((HIST, 2, NW, 8, 128), jnp.float32),
        mesh=mesh,
        compiler_params=pltpu.CompilerParams(
            needs_layout_passes=False, use_tc_tiling_on_sc=False),
        scratch_types=[
            pltpu.VMEM((HIST, BW), jnp.int32),
            pltpu.VMEM((2, BW, N_STATES), jnp.float32),
            pltpu.VMEM((2, N_STATES, 128), jnp.float32),
            pltpu.VMEM((NBUCKET,), jnp.float32),
            pltpu.SemaphoreType.DMA,
            pltpu.SemaphoreType.DMA,
            pltpu.SemaphoreType.DMA,
            pltpu.SemaphoreType.DMA,
        ],
    )(xT, probs, jnp.asarray(_TD))
    return out5.transpose(2, 4, 0, 1, 3).reshape(BATCH, HIST, N_STATES)

# --- scband reference (transcript-rebuilt; emitter-appended) ---
"""Pipeline reference for scband-discrete-emission-model-32031866094199 (READ-ONLY COPY).

The authoritative reference and input builder live on the scoring server;
editing this copy changes nothing except your own understanding.
"""

import jax, jax.numpy as jnp
import numpy as np

N_OBS = 1000000
N_STATES = 16
BATCH = 4096
HIST = 200

def setup_inputs(seed: int = 0) -> dict:
    key = jax.random.key(seed)
    k1, k2 = jax.random.split(key)
    x = jax.random.randint(k1, (BATCH, HIST), 0, N_OBS, dtype=jnp.int64 if jax.config.jax_enable_x64 else jnp.int32)
    probs = jax.random.uniform(k2, (N_OBS, N_STATES), dtype=jnp.float32, minval=1e-4, maxval=1.0)
    # normalize columns so each state's emission distribution over observations sums to 1
    probs = probs / jnp.sum(probs, axis=0, keepdims=True)
    return {"x": x, "probs": probs}

def reference(x, probs):
    # forward = log_prob(x) = log(probs[x])  (embedding gather + elementwise log)
    gathered = jnp.take(probs, x, axis=0)
    return jnp.log(gathered)

if __name__ == "__main__":
    import jax
    _d = setup_inputs()
    print(jax.jit(kernel)(*tuple(_d.values())))

</pallas_src>

<mosaic_0001>
#map = affine_map<(d0, d1) -> (0, 0)>
#map1 = affine_map<(d0, d1) -> (0)>
#map2 = affine_map<(d0, d1) -> (0, 0, 0, 0, 0)>
module attributes {stable_mosaic.version = 14 : i64} {
  func.func @_sc_body(%arg0: i32, %arg1: i32, %arg2: memref<200x4096xi32, #tpu.memory_space<hbm>>, %arg3: memref<1000000x16xf32, #tpu.memory_space<hbm>>, %arg4: memref<4096xf32, #tpu.memory_space<hbm>>, %arg5: memref<200x2x32x8x128xf32, #tpu.memory_space<hbm>>, %arg6: memref<200x128xi32, #tpu.memory_space<vmem>>, %arg7: memref<2x128x16xf32, #tpu.memory_space<vmem>>, %arg8: memref<2x16x128xf32, #tpu.memory_space<vmem>>, %arg9: memref<4096xf32, #tpu.memory_space<vmem>>, %arg10: memref<!tpu.dma_semaphore, #tpu.memory_space<semaphore_mem>>, %arg11: memref<!tpu.dma_semaphore, #tpu.memory_space<semaphore_mem>>, %arg12: memref<!tpu.dma_semaphore, #tpu.memory_space<semaphore_mem>>, %arg13: memref<!tpu.dma_semaphore, #tpu.memory_space<semaphore_mem>>) attributes {dimension_semantics = [#tpu.dimension_semantics<core_parallel>, #tpu.dimension_semantics<subcore_parallel>], iteration_bounds = array<i64: 2, 16>, scalar_prefetch = 0 : i64, scratch_operands = 8 : i64, tpu.core_type = #tpu.core_type<sc_vector_subcore>, window_params = [{transform_indices = #map}, {transform_indices = #map}, {transform_indices = #map1}, {transform_indices = #map2}]} {
    %mul3A = arith.constant 2 : i32
    %mul3A_0 = arith.muli %arg1, %mul3A : i32
    %add3A = arith.addi %mul3A_0, %arg0 : i32
    %mul3A_1 = arith.constant 128 : i32
    %mul3A_2 = arith.muli %add3A, %mul3A_1 : i32
    "tpu.region"() ({
      %run_scoped3A = tpu.sem_alloc : memref<!tpu.dma_semaphore, #tpu.memory_space<semaphore_mem>>
      tpu.enqueue_dma source(%arg4 : memref<4096xf32, #tpu.memory_space<hbm>>) target(%arg9 : memref<4096xf32, #tpu.memory_space<vmem>>) target_semaphore(%run_scoped3A : memref<!tpu.dma_semaphore, #tpu.memory_space<semaphore_mem>>)
      tpu.wait_dma2 semaphore(%run_scoped3A : memref<!tpu.dma_semaphore, #tpu.memory_space<semaphore_mem>>) src(%arg4 : memref<4096xf32, #tpu.memory_space<hbm>>) dst(%arg9 : memref<4096xf32, #tpu.memory_space<vmem>>)
      tpu.yield
    }) : () -> ()
    "tpu.region"() ({
      %run_scoped3A = tpu.sem_alloc : memref<!tpu.dma_semaphore, #tpu.memory_space<semaphore_mem>>
      %dma_start3A_98 = arith.constant 0 : i32
      %dma_start3A_99 = tpu.memref_slice %arg2[%dma_start3A_98, %mul3A_2] : memref<200x4096xi32, #tpu.memory_space<hbm>> -> memref<200x128xi32, #tpu.memory_space<hbm>>
      %dma_start3A_100 = arith.constant 0 : i32
      %dma_start3A_101 = tpu.memref_slice %arg2[%dma_start3A_100, %mul3A_2] : memref<200x4096xi32, #tpu.memory_space<hbm>> -> memref<200x128xi32, #tpu.memory_space<hbm>>
      tpu.enqueue_dma source(%dma_start3A_101 : memref<200x128xi32, #tpu.memory_space<hbm>>) target(%arg6 : memref<200x128xi32, #tpu.memory_space<vmem>>) target_semaphore(%run_scoped3A : memref<!tpu.dma_semaphore, #tpu.memory_space<semaphore_mem>>)
      %dma_wait3A_102 = arith.constant 0 : i32
      %dma_wait3A_103 = tpu.memref_slice %arg2[%dma_wait3A_102, %mul3A_2] : memref<200x4096xi32, #tpu.memory_space<hbm>> -> memref<200x128xi32, #tpu.memory_space<hbm>>
      %dma_wait3A_104 = arith.constant 0 : i32
      %dma_wait3A_105 = tpu.memref_slice %arg2[%dma_wait3A_104, %mul3A_2] : memref<200x4096xi32, #tpu.memory_space<hbm>> -> memref<200x128xi32, #tpu.memory_space<hbm>>
      tpu.wait_dma2 semaphore(%run_scoped3A : memref<!tpu.dma_semaphore, #tpu.memory_space<semaphore_mem>>) src(%dma_wait3A_105 : memref<200x128xi32, #tpu.memory_space<hbm>>) dst(%arg6 : memref<200x128xi32, #tpu.memory_space<vmem>>)
      tpu.yield
    }) : () -> ()
    %iota3A = tpu.iota {dimensions = array<i32: 0>} : vector<16xi32>
    %dma_start3A = arith.constant 0 : i32
    %dma_start3A_3 = arith.constant 0 : i32
    %dma_start3A_4 = arith.constant 0 : i32
    %dma_start3A_5 = arith.constant 0 : i32
    %dma_start3A_6 = tpu.memref_slice %arg7[%dma_start3A_3, %dma_start3A_4, %dma_start3A_5] : memref<2x128x16xf32, #tpu.memory_space<vmem>> -> memref<1x128x16xf32, #tpu.memory_space<vmem>>
    %dma_start3A_7 = tpu.memref_squeeze %dma_start3A_6 : memref<1x128x16xf32, #tpu.memory_space<vmem>> -> memref<128x16xf32, #tpu.memory_space<vmem>>
    %dma_start3A_8 = arith.constant 0 : i32
    %dma_start3A_9 = tpu.memref_slice %arg6[%dma_start3A, %dma_start3A_8] : memref<200x128xi32, #tpu.memory_space<vmem>> -> memref<1x128xi32, #tpu.memory_space<vmem>>
    %dma_start3A_10 = tpu.memref_squeeze %dma_start3A_9 : memref<1x128xi32, #tpu.memory_space<vmem>> -> memref<128xi32, #tpu.memory_space<vmem>>
    %dma_start3A_11 = arith.constant 0 : i32
    %dma_start3A_12 = arith.constant 0 : i32
    %dma_start3A_13 = tpu.memref_slice %arg3[%dma_start3A_11, %dma_start3A_12] : memref<1000000x16xf32, #tpu.memory_space<hbm>> -> memref<1000000x16xf32, #tpu.memory_space<hbm>>
    tpu.enqueue_indirect_dma source(%dma_start3A_13 : memref<1000000x16xf32, #tpu.memory_space<hbm>>) target(%dma_start3A_7 : memref<128x16xf32, #tpu.memory_space<vmem>>) offsets(%dma_start3A_10 : memref<128xi32, #tpu.memory_space<vmem>>) semaphore(%arg10 : memref<!tpu.dma_semaphore, #tpu.memory_space<semaphore_mem>>)
    %scan3A = arith.constant 0 : i32
    %scan3A_14 = arith.constant 0 : i32
    %scan3A_15 = arith.constant 100 : i32
    %scan3A_16 = arith.addi %scan3A_14, %scan3A_15 : i32
    %scan3A_17 = arith.constant 1 : i32
    scf.for %scan3A_98 = %scan3A_14 to %scan3A_16 step %scan3A_17  : i32 {
      %mul3A_99 = arith.constant 2 : i32
      %mul3A_100 = arith.muli %mul3A_99, %scan3A_98 : i32
      %add3A_101 = arith.constant 0 : i32
      %add3A_102 = arith.addi %mul3A_100, %add3A_101 : i32
      %add3A_103 = arith.constant 1 : i32
      %add3A_104 = arith.addi %add3A_102, %add3A_103 : i32
      %dma_start3A_105 = arith.constant 1 : i32
      %dma_start3A_106 = arith.constant 0 : i32
      %dma_start3A_107 = arith.constant 0 : i32
      %dma_start3A_108 = tpu.memref_slice %arg7[%dma_start3A_105, %dma_start3A_106, %dma_start3A_107] : memref<2x128x16xf32, #tpu.memory_space<vmem>> -> memref<1x128x16xf32, #tpu.memory_space<vmem>>
      %dma_start3A_109 = tpu.memref_squeeze %dma_start3A_108 : memref<1x128x16xf32, #tpu.memory_space<vmem>> -> memref<128x16xf32, #tpu.memory_space<vmem>>
      %dma_start3A_110 = arith.constant 0 : i32
      %dma_start3A_111 = tpu.memref_slice %arg6[%add3A_104, %dma_start3A_110] : memref<200x128xi32, #tpu.memory_space<vmem>> -> memref<1x128xi32, #tpu.memory_space<vmem>>
      %dma_start3A_112 = tpu.memref_squeeze %dma_start3A_111 : memref<1x128xi32, #tpu.memory_space<vmem>> -> memref<128xi32, #tpu.memory_space<vmem>>
      %dma_start3A_113 = arith.constant 0 : i32
      %dma_start3A_114 = arith.constant 0 : i32
      %dma_start3A_115 = tpu.memref_slice %arg3[%dma_start3A_113, %dma_start3A_114] : memref<1000000x16xf32, #tpu.memory_space<hbm>> -> memref<1000000x16xf32, #tpu.memory_space<hbm>>
      tpu.enqueue_indirect_dma source(%dma_start3A_115 : memref<1000000x16xf32, #tpu.memory_space<hbm>>) target(%dma_start3A_109 : memref<128x16xf32, #tpu.memory_space<vmem>>) offsets(%dma_start3A_112 : memref<128xi32, #tpu.memory_space<vmem>>) semaphore(%arg11 : memref<!tpu.dma_semaphore, #tpu.memory_space<semaphore_mem>>)
      %dma_wait3A_116 = arith.constant 0 : i32
      %dma_wait3A_117 = arith.constant 0 : i32
      %dma_wait3A_118 = arith.constant 0 : i32
      %dma_wait3A_119 = tpu.memref_slice %arg7[%dma_wait3A_116, %dma_wait3A_117, %dma_wait3A_118] : memref<2x128x16xf32, #tpu.memory_space<vmem>> -> memref<1x128x16xf32, #tpu.memory_space<vmem>>
      %dma_wait3A_120 = tpu.memref_squeeze %dma_wait3A_119 : memref<1x128x16xf32, #tpu.memory_space<vmem>> -> memref<128x16xf32, #tpu.memory_space<vmem>>
      %dma_wait3A_121 = arith.constant 0 : i32
      %dma_wait3A_122 = tpu.memref_slice %arg6[%add3A_102, %dma_wait3A_121] : memref<200x128xi32, #tpu.memory_space<vmem>> -> memref<1x128xi32, #tpu.memory_space<vmem>>
      %dma_wait3A_123 = tpu.memref_squeeze %dma_wait3A_122 : memref<1x128xi32, #tpu.memory_space<vmem>> -> memref<128xi32, #tpu.memory_space<vmem>>
      %dma_wait3A_124 = arith.constant 0 : i32
      %dma_wait3A_125 = arith.constant 0 : i32
      %dma_wait3A_126 = tpu.memref_slice %arg3[%dma_wait3A_124, %dma_wait3A_125] : memref<1000000x16xf32, #tpu.memory_space<hbm>> -> memref<1000000x16xf32, #tpu.memory_space<hbm>>
      tpu.wait_indirect_dma semaphore(%arg10 : memref<!tpu.dma_semaphore, #tpu.memory_space<semaphore_mem>>) src(%dma_wait3A_126 : memref<1000000x16xf32, #tpu.memory_space<hbm>>) dst(%dma_wait3A_120 : memref<128x16xf32, #tpu.memory_space<vmem>>)
      %ge3A = arith.constant 1 : i32
      %ge3A_127 = arith.cmpi sge, %scan3A_98, %ge3A : i32
      %convert_element_type3A = arith.extui %ge3A_127 : i1 to i32
      %cond3A = arith.constant 0 : i32
      %cond3A_128 = arith.cmpi ne, %convert_element_type3A, %cond3A : i32
      scf.if %cond3A_128 {
        %dma_wait3A_239 = arith.constant 0 : i32
        %dma_wait3A_240 = arith.constant 0 : i32
        %dma_wait3A_241 = arith.constant 0 : i32
        %dma_wait3A_242 = arith.constant 0 : i32
        %dma_wait3A_243 = arith.constant 0 : i32
        %dma_wait3A_244 = arith.constant 0 : i32
        %dma_wait3A_245 = tpu.memref_slice %arg8[%dma_wait3A_239, %dma_wait3A_243, %dma_wait3A_244] : memref<2x16x128xf32, #tpu.memory_space<vmem>> -> memref<1x8x128xf32, #tpu.memory_space<vmem>>
        %dma_wait3A_246 = tpu.memref_squeeze %dma_wait3A_245 : memref<1x8x128xf32, #tpu.memory_space<vmem>> -> memref<8x128xf32, #tpu.memory_space<vmem>>
        %dma_wait3A_247 = arith.constant 0 : i32
        %dma_wait3A_248 = arith.constant 0 : i32
        %dma_wait3A_249 = tpu.memref_slice %arg5[%dma_wait3A_240, %dma_wait3A_241, %dma_wait3A_242, %dma_wait3A_247, %dma_wait3A_248] : memref<200x2x32x8x128xf32, #tpu.memory_space<hbm>> -> memref<1x1x1x8x128xf32, #tpu.memory_space<hbm>>
        %dma_wait3A_250 = tpu.memref_squeeze %dma_wait3A_249 : memref<1x1x1x8x128xf32, #tpu.memory_space<hbm>> -> memref<8x128xf32, #tpu.memory_space<hbm>>
        %dma_wait3A_251 = arith.constant 0 : i32
        %dma_wait3A_252 = arith.constant 0 : i32
        %dma_wait3A_253 = tpu.memref_slice %arg5[%dma_wait3A_240, %dma_wait3A_241, %dma_wait3A_242, %dma_wait3A_251, %dma_wait3A_252] : memref<200x2x32x8x128xf32, #tpu.memory_space<hbm>> -> memref<1x1x1x8x128xf32, #tpu.memory_space<hbm>>
        %dma_wait3A_254 = tpu.memref_squeeze %dma_wait3A_253 : memref<1x1x1x8x128xf32, #tpu.memory_space<hbm>> -> memref<8x128xf32, #tpu.memory_space<hbm>>
        %dma_wait3A_255 = arith.constant 0 : i32
        %dma_wait3A_256 = arith.constant 0 : i32
        %dma_wait3A_257 = tpu.memref_slice %arg8[%dma_wait3A_239, %dma_wait3A_255, %dma_wait3A_256] : memref<2x16x128xf32, #tpu.memory_space<vmem>> -> memref<1x8x128xf32, #tpu.memory_space<vmem>>
        %dma_wait3A_258 = tpu.memref_squeeze %dma_wait3A_257 : memref<1x8x128xf32, #tpu.memory_space<vmem>> -> memref<8x128xf32, #tpu.memory_space<vmem>>
        tpu.wait_dma2 semaphore(%arg12 : memref<!tpu.dma_semaphore, #tpu.memory_space<semaphore_mem>>) src(%dma_wait3A_258 : memref<8x128xf32, #tpu.memory_space<vmem>>) dst(%dma_wait3A_254 : memref<8x128xf32, #tpu.memory_space<hbm>>)
        %dma_wait3A_259 = arith.constant 0 : i32
        %dma_wait3A_260 = arith.constant 0 : i32
        %dma_wait3A_261 = arith.constant 0 : i32
        %dma_wait3A_262 = arith.constant 0 : i32
        %dma_wait3A_263 = arith.constant 0 : i32
        %dma_wait3A_264 = arith.constant 0 : i32
        %dma_wait3A_265 = tpu.memref_slice %arg8[%dma_wait3A_259, %dma_wait3A_263, %dma_wait3A_264] : memref<2x16x128xf32, #tpu.memory_space<vmem>> -> memref<1x8x128xf32, #tpu.memory_space<vmem>>
        %dma_wait3A_266 = tpu.memref_squeeze %dma_wait3A_265 : memref<1x8x128xf32, #tpu.memory_space<vmem>> -> memref<8x128xf32, #tpu.memory_space<vmem>>
        %dma_wait3A_267 = arith.constant 0 : i32
        %dma_wait3A_268 = arith.constant 0 : i32
        %dma_wait3A_269 = tpu.memref_slice %arg5[%dma_wait3A_260, %dma_wait3A_261, %dma_wait3A_262, %dma_wait3A_267, %dma_wait3A_268] : memref<200x2x32x8x128xf32, #tpu.memory_space<hbm>> -> memref<1x1x1x8x128xf32, #tpu.memory_space<hbm>>
        %dma_wait3A_270 = tpu.memref_squeeze %dma_wait3A_269 : memref<1x1x1x8x128xf32, #tpu.memory_space<hbm>> -> memref<8x128xf32, #tpu.memory_space<hbm>>
        %dma_wait3A_271 = arith.constant 0 : i32
        %dma_wait3A_272 = arith.constant 0 : i32
        %dma_wait3A_273 = tpu.memref_slice %arg5[%dma_wait3A_260, %dma_wait3A_261, %dma_wait3A_262, %dma_wait3A_271, %dma_wait3A_272] : memref<200x2x32x8x128xf32, #tpu.memory_space<hbm>> -> memref<1x1x1x8x128xf32, #tpu.memory_space<hbm>>
        %dma_wait3A_274 = tpu.memref_squeeze %dma_wait3A_273 : memref<1x1x1x8x128xf32, #tpu.memory_space<hbm>> -> memref<8x128xf32, #tpu.memory_space<hbm>>
        %dma_wait3A_275 = arith.constant 0 : i32
        %dma_wait3A_276 = arith.constant 0 : i32
        %dma_wait3A_277 = tpu.memref_slice %arg8[%dma_wait3A_259, %dma_wait3A_275, %dma_wait3A_276] : memref<2x16x128xf32, #tpu.memory_space<vmem>> -> memref<1x8x128xf32, #tpu.memory_space<vmem>>
        %dma_wait3A_278 = tpu.memref_squeeze %dma_wait3A_277 : memref<1x8x128xf32, #tpu.memory_space<vmem>> -> memref<8x128xf32, #tpu.memory_space<vmem>>
        tpu.wait_dma2 semaphore(%arg12 : memref<!tpu.dma_semaphore, #tpu.memory_space<semaphore_mem>>) src(%dma_wait3A_278 : memref<8x128xf32, #tpu.memory_space<vmem>>) dst(%dma_wait3A_274 : memref<8x128xf32, #tpu.memory_space<hbm>>)
      } else {
      }
      %scan3A_129 = arith.constant 0 : i32
      %scan3A_130 = arith.constant 0 : i32
      %scan3A_131 = arith.constant 8 : i32
      %scan3A_132 = arith.addi %scan3A_130, %scan3A_131 : i32
      %scan3A_133 = arith.constant 1 : i32
      scf.for %scan3A_239 = %scan3A_130 to %scan3A_132 step %scan3A_133  : i32 {
        %mul3A_240 = arith.constant 16 : i32
        %mul3A_241 = arith.muli %scan3A_239, %mul3A_240 : i32
        %add3A_242 = arith.constant 0 : i32
        %add3A_243 = arith.addi %mul3A_241, %add3A_242 : i32
        %get3A = arith.constant 0 : i32
        %get3A_244 = arith.index_cast %get3A : i32 to index
        %get3A_245 = arith.index_cast %add3A_243 : i32 to index
        %get3A_246 = arith.constant 0 : index
        %get3A_247 = tpu.vector_load %arg7[%get3A_244, %get3A_245, %get3A_246] {strides = array<i32>} : memref<2x128x16xf32, #tpu.memory_space<vmem>>, vector<16xf32>,
        %bitcast3A = vector.bitcast %get3A_247 : vector<16xf32> to vector<16xi32>
        %shift_right_arithmetic3A = arith.constant 11 : i32
        %shift_right_arithmetic3A_248 = vector.broadcast %shift_right_arithmetic3A : i32 to vector<16xi32>
        %shift_right_arithmetic3A_249 = arith.shrsi %bitcast3A, %shift_right_arithmetic3A_248 : vector<16xi32>
        %and3A = arith.constant 4095 : i32
        %and3A_250 = vector.broadcast %and3A : i32 to vector<16xi32>
        %and3A_251 = arith.andi %shift_right_arithmetic3A_249, %and3A_250 : vector<16xi32>
        %gather3A = tpu.vector_load_idx %arg9[%and3A_251] : memref<4096xf32, #tpu.memory_space<vmem>>[vector<16xi32>], vector<16xf32>,
        %convert_element_type3A_252 = arith.sitofp %bitcast3A : vector<16xi32> to vector<16xf32>
        %mul3A_253 = arith.constant 8.26295832E-8 : f32
        %mul3A_254 = vector.broadcast %mul3A_253 : f32 to vector<16xf32>
        %mul3A_255 = arith.mulf %convert_element_type3A_252, %mul3A_254 : vector<16xf32>
        %add3A_256 = arith.addf %mul3A_255, %gather3A : vector<16xf32>
        %mul3A_257 = arith.constant 16 : i32
        %mul3A_258 = arith.muli %scan3A_239, %mul3A_257 : i32
        %add3A_259 = arith.constant 1 : i32
        %add3A_260 = arith.addi %mul3A_258, %add3A_259 : i32
        %get3A_261 = arith.constant 0 : i32
        %get3A_262 = arith.index_cast %get3A_261 : i32 to index
        %get3A_263 = arith.index_cast %add3A_260 : i32 to index
        %get3A_264 = arith.constant 0 : index
        %get3A_265 = tpu.vector_load %arg7[%get3A_262, %get3A_263, %get3A_264] {strides = array<i32>} : memref<2x128x16xf32, #tpu.memory_space<vmem>>, vector<16xf32>,
        %bitcast3A_266 = vector.bitcast %get3A_265 : vector<16xf32> to vector<16xi32>
        %shift_right_arithmetic3A_267 = arith.constant 11 : i32
        %shift_right_arithmetic3A_268 = vector.broadcast %shift_right_arithmetic3A_267 : i32 to vector<16xi32>
        %shift_right_arithmetic3A_269 = arith.shrsi %bitcast3A_266, %shift_right_arithmetic3A_268 : vector<16xi32>
        %and3A_270 = arith.constant 4095 : i32
        %and3A_271 = vector.broadcast %and3A_270 : i32 to vector<16xi32>
        %and3A_272 = arith.andi %shift_right_arithmetic3A_269, %and3A_271 : vector<16xi32>
        %gather3A_273 = tpu.vector_load_idx %arg9[%and3A_272] : memref<4096xf32, #tpu.memory_space<vmem>>[vector<16xi32>], vector<16xf32>,
        %convert_element_type3A_274 = arith.sitofp %bitcast3A_266 : vector<16xi32> to vector<16xf32>
        %mul3A_275 = arith.constant 8.26295832E-8 : f32
        %mul3A_276 = vector.broadcast %mul3A_275 : f32 to vector<16xf32>
        %mul3A_277 = arith.mulf %convert_element_type3A_274, %mul3A_276 : vector<16xf32>
        %add3A_278 = arith.addf %mul3A_277, %gather3A_273 : vector<16xf32>
        %mul3A_279 = arith.constant 16 : i32
        %mul3A_280 = arith.muli %scan3A_239, %mul3A_279 : i32
        %add3A_281 = arith.constant 2 : i32
        %add3A_282 = arith.addi %mul3A_280, %add3A_281 : i32
        %get3A_283 = arith.constant 0 : i32
        %get3A_284 = arith.index_cast %get3A_283 : i32 to index
        %get3A_285 = arith.index_cast %add3A_282 : i32 to index
        %get3A_286 = arith.constant 0 : index
        %get3A_287 = tpu.vector_load %arg7[%get3A_284, %get3A_285, %get3A_286] {strides = array<i32>} : memref<2x128x16xf32, #tpu.memory_space<vmem>>, vector<16xf32>,
        %bitcast3A_288 = vector.bitcast %get3A_287 : vector<16xf32> to vector<16xi32>
        %shift_right_arithmetic3A_289 = arith.constant 11 : i32
        %shift_right_arithmetic3A_290 = vector.broadcast %shift_right_arithmetic3A_289 : i32 to vector<16xi32>
        %shift_right_arithmetic3A_291 = arith.shrsi %bitcast3A_288, %shift_right_arithmetic3A_290 : vector<16xi32>
        %and3A_292 = arith.constant 4095 : i32
        %and3A_293 = vector.broadcast %and3A_292 : i32 to vector<16xi32>
        %and3A_294 = arith.andi %shift_right_arithmetic3A_291, %and3A_293 : vector<16xi32>
        %gather3A_295 = tpu.vector_load_idx %arg9[%and3A_294] : memref<4096xf32, #tpu.memory_space<vmem>>[vector<16xi32>], vector<16xf32>,
        %convert_element_type3A_296 = arith.sitofp %bitcast3A_288 : vector<16xi32> to vector<16xf32>
        %mul3A_297 = arith.constant 8.26295832E-8 : f32
        %mul3A_298 = vector.broadcast %mul3A_297 : f32 to vector<16xf32>
        %mul3A_299 = arith.mulf %convert_element_type3A_296, %mul3A_298 : vector<16xf32>
        %add3A_300 = arith.addf %mul3A_299, %gather3A_295 : vector<16xf32>
        %mul3A_301 = arith.constant 16 : i32
        %mul3A_302 = arith.muli %scan3A_239, %mul3A_301 : i32
        %add3A_303 = arith.constant 3 : i32
        %add3A_304 = arith.addi %mul3A_302, %add3A_303 : i32
        %get3A_305 = arith.constant 0 : i32
        %get3A_306 = arith.index_cast %get3A_305 : i32 to index
        %get3A_307 = arith.index_cast %add3A_304 : i32 to index
        %get3A_308 = arith.constant 0 : index
        %get3A_309 = tpu.vector_load %arg7[%get3A_306, %get3A_307, %get3A_308] {strides = array<i32>} : memref<2x128x16xf32, #tpu.memory_space<vmem>>, vector<16xf32>,
        %bitcast3A_310 = vector.bitcast %get3A_309 : vector<16xf32> to vector<16xi32>
        %shift_right_arithmetic3A_311 = arith.constant 11 : i32
        %shift_right_arithmetic3A_312 = vector.broadcast %shift_right_arithmetic3A_311 : i32 to vector<16xi32>
        %shift_right_arithmetic3A_313 = arith.shrsi %bitcast3A_310, %shift_right_arithmetic3A_312 : vector<16xi32>
        %and3A_314 = arith.constant 4095 : i32
        %and3A_315 = vector.broadcast %and3A_314 : i32 to vector<16xi32>
        %and3A_316 = arith.andi %shift_right_arithmetic3A_313, %and3A_315 : vector<16xi32>
        %gather3A_317 = tpu.vector_load_idx %arg9[%and3A_316] : memref<4096xf32, #tpu.memory_space<vmem>>[vector<16xi32>], vector<16xf32>,
        %convert_element_type3A_318 = arith.sitofp %bitcast3A_310 : vector<16xi32> to vector<16xf32>
        %mul3A_319 = arith.constant 8.26295832E-8 : f32
        %mul3A_320 = vector.broadcast %mul3A_319 : f32 to vector<16xf32>
        %mul3A_321 = arith.mulf %convert_element_type3A_318, %mul3A_320 : vector<16xf32>
        %add3A_322 = arith.addf %mul3A_321, %gather3A_317 : vector<16xf32>
        %mul3A_323 = arith.constant 16 : i32
        %mul3A_324 = arith.muli %scan3A_239, %mul3A_323 : i32
        %add3A_325 = arith.constant 4 : i32
        %add3A_326 = arith.addi %mul3A_324, %add3A_325 : i32
        %get3A_327 = arith.constant 0 : i32
        %get3A_328 = arith.index_cast %get3A_327 : i32 to index
        %get3A_329 = arith.index_cast %add3A_326 : i32 to index
        %get3A_330 = arith.constant 0 : index
        %get3A_331 = tpu.vector_load %arg7[%get3A_328, %get3A_329, %get3A_330] {strides = array<i32>} : memref<2x128x16xf32, #tpu.memory_space<vmem>>, vector<16xf32>,
        %bitcast3A_332 = vector.bitcast %get3A_331 : vector<16xf32> to vector<16xi32>
        %shift_right_arithmetic3A_333 = arith.constant 11 : i32
        %shift_right_arithmetic3A_334 = vector.broadcast %shift_right_arithmetic3A_333 : i32 to vector<16xi32>
        %shift_right_arithmetic3A_335 = arith.shrsi %bitcast3A_332, %shift_right_arithmetic3A_334 : vector<16xi32>
        %and3A_336 = arith.constant 4095 : i32
        %and3A_337 = vector.broadcast %and3A_336 : i32 to vector<16xi32>
        %and3A_338 = arith.andi %shift_right_arithmetic3A_335, %and3A_337 : vector<16xi32>
        %gather3A_339 = tpu.vector_load_idx %arg9[%and3A_338] : memref<4096xf32, #tpu.memory_space<vmem>>[vector<16xi32>], vector<16xf32>,
        %convert_element_type3A_340 = arith.sitofp %bitcast3A_332 : vector<16xi32> to vector<16xf32>
        %mul3A_341 = arith.constant 8.26295832E-8 : f32
        %mul3A_342 = vector.broadcast %mul3A_341 : f32 to vector<16xf32>
        %mul3A_343 = arith.mulf %convert_element_type3A_340, %mul3A_342 : vector<16xf32>
        %add3A_344 = arith.addf %mul3A_343, %gather3A_339 : vector<16xf32>
        %mul3A_345 = arith.constant 16 : i32
        %mul3A_346 = arith.muli %scan3A_239, %mul3A_345 : i32
        %add3A_347 = arith.constant 5 : i32
        %add3A_348 = arith.addi %mul3A_346, %add3A_347 : i32
        %get3A_349 = arith.constant 0 : i32
        %get3A_350 = arith.index_cast %get3A_349 : i32 to index
        %get3A_351 = arith.index_cast %add3A_348 : i32 to index
        %get3A_352 = arith.constant 0 : index
        %get3A_353 = tpu.vector_load %arg7[%get3A_350, %get3A_351, %get3A_352] {strides = array<i32>} : memref<2x128x16xf32, #tpu.memory_space<vmem>>, vector<16xf32>,
        %bitcast3A_354 = vector.bitcast %get3A_353 : vector<16xf32> to vector<16xi32>
        %shift_right_arithmetic3A_355 = arith.constant 11 : i32
        %shift_right_arithmetic3A_356 = vector.broadcast %shift_right_arithmetic3A_355 : i32 to vector<16xi32>
        %shift_right_arithmetic3A_357 = arith.shrsi %bitcast3A_354, %shift_right_arithmetic3A_356 : vector<16xi32>
        %and3A_358 = arith.constant 4095 : i32
        %and3A_359 = vector.broadcast %and3A_358 : i32 to vector<16xi32>
        %and3A_360 = arith.andi %shift_right_arithmetic3A_357, %and3A_359 : vector<16xi32>
        %gather3A_361 = tpu.vector_load_idx %arg9[%and3A_360] : memref<4096xf32, #tpu.memory_space<vmem>>[vector<16xi32>], vector<16xf32>,
        %convert_element_type3A_362 = arith.sitofp %bitcast3A_354 : vector<16xi32> to vector<16xf32>
        %mul3A_363 = arith.constant 8.26295832E-8 : f32
        %mul3A_364 = vector.broadcast %mul3A_363 : f32 to vector<16xf32>
        %mul3A_365 = arith.mulf %convert_element_type3A_362, %mul3A_364 : vector<16xf32>
        %add3A_366 = arith.addf %mul3A_365, %gather3A_361 : vector<16xf32>
        %mul3A_367 = arith.constant 16 : i32
        %mul3A_368 = arith.muli %scan3A_239, %mul3A_367 : i32
        %add3A_369 = arith.constant 6 : i32
        %add3A_370 = arith.addi %mul3A_368, %add3A_369 : i32
        %get3A_371 = arith.constant 0 : i32
        %get3A_372 = arith.index_cast %get3A_371 : i32 to index
        %get3A_373 = arith.index_cast %add3A_370 : i32 to index
        %get3A_374 = arith.constant 0 : index
        %get3A_375 = tpu.vector_load %arg7[%get3A_372, %get3A_373, %get3A_374] {strides = array<i32>} : memref<2x128x16xf32, #tpu.memory_space<vmem>>, vector<16xf32>,
        %bitcast3A_376 = vector.bitcast %get3A_375 : vector<16xf32> to vector<16xi32>
        %shift_right_arithmetic3A_377 = arith.constant 11 : i32
        %shift_right_arithmetic3A_378 = vector.broadcast %shift_right_arithmetic3A_377 : i32 to vector<16xi32>
        %shift_right_arithmetic3A_379 = arith.shrsi %bitcast3A_376, %shift_right_arithmetic3A_378 : vector<16xi32>
        %and3A_380 = arith.constant 4095 : i32
        %and3A_381 = vector.broadcast %and3A_380 : i32 to vector<16xi32>
        %and3A_382 = arith.andi %shift_right_arithmetic3A_379, %and3A_381 : vector<16xi32>
        %gather3A_383 = tpu.vector_load_idx %arg9[%and3A_382] : memref<4096xf32, #tpu.memory_space<vmem>>[vector<16xi32>], vector<16xf32>,
        %convert_element_type3A_384 = arith.sitofp %bitcast3A_376 : vector<16xi32> to vector<16xf32>
        %mul3A_385 = arith.constant 8.26295832E-8 : f32
        %mul3A_386 = vector.broadcast %mul3A_385 : f32 to vector<16xf32>
        %mul3A_387 = arith.mulf %convert_element_type3A_384, %mul3A_386 : vector<16xf32>
        %add3A_388 = arith.addf %mul3A_387, %gather3A_383 : vector<16xf32>
        %mul3A_389 = arith.constant 16 : i32
        %mul3A_390 = arith.muli %scan3A_239, %mul3A_389 : i32
        %add3A_391 = arith.constant 7 : i32
        %add3A_392 = arith.addi %mul3A_390, %add3A_391 : i32
        %get3A_393 = arith.constant 0 : i32
        %get3A_394 = arith.index_cast %get3A_393 : i32 to index
        %get3A_395 = arith.index_cast %add3A_392 : i32 to index
        %get3A_396 = arith.constant 0 : index
        %get3A_397 = tpu.vector_load %arg7[%get3A_394, %get3A_395, %get3A_396] {strides = array<i32>} : memref<2x128x16xf32, #tpu.memory_space<vmem>>, vector<16xf32>,
        %bitcast3A_398 = vector.bitcast %get3A_397 : vector<16xf32> to vector<16xi32>
        %shift_right_arithmetic3A_399 = arith.constant 11 : i32
        %shift_right_arithmetic3A_400 = vector.broadcast %shift_right_arithmetic3A_399 : i32 to vector<16xi32>
        %shift_right_arithmetic3A_401 = arith.shrsi %bitcast3A_398, %shift_right_arithmetic3A_400 : vector<16xi32>
        %and3A_402 = arith.constant 4095 : i32
        %and3A_403 = vector.broadcast %and3A_402 : i32 to vector<16xi32>
        %and3A_404 = arith.andi %shift_right_arithmetic3A_401, %and3A_403 : vector<16xi32>
        %gather3A_405 = tpu.vector_load_idx %arg9[%and3A_404] : memref<4096xf32, #tpu.memory_space<vmem>>[vector<16xi32>], vector<16xf32>,
        %convert_element_type3A_406 = arith.sitofp %bitcast3A_398 : vector<16xi32> to vector<16xf32>
        %mul3A_407 = arith.constant 8.26295832E-8 : f32
        %mul3A_408 = vector.broadcast %mul3A_407 : f32 to vector<16xf32>
        %mul3A_409 = arith.mulf %convert_element_type3A_406, %mul3A_408 : vector<16xf32>
        %add3A_410 = arith.addf %mul3A_409, %gather3A_405 : vector<16xf32>
        %mul3A_411 = arith.constant 16 : i32
        %mul3A_412 = arith.muli %scan3A_239, %mul3A_411 : i32
        %add3A_413 = arith.constant 8 : i32
        %add3A_414 = arith.addi %mul3A_412, %add3A_413 : i32
        %get3A_415 = arith.constant 0 : i32
        %get3A_416 = arith.index_cast %get3A_415 : i32 to index
        %get3A_417 = arith.index_cast %add3A_414 : i32 to index
        %get3A_418 = arith.constant 0 : index
        %get3A_419 = tpu.vector_load %arg7[%get3A_416, %get3A_417, %get3A_418] {strides = array<i32>} : memref<2x128x16xf32, #tpu.memory_space<vmem>>, vector<16xf32>,
        %bitcast3A_420 = vector.bitcast %get3A_419 : vector<16xf32> to vector<16xi32>
        %shift_right_arithmetic3A_421 = arith.constant 11 : i32
        %shift_right_arithmetic3A_422 = vector.broadcast %shift_right_arithmetic3A_421 : i32 to vector<16xi32>
        %shift_right_arithmetic3A_423 = arith.shrsi %bitcast3A_420, %shift_right_arithmetic3A_422 : vector<16xi32>
        %and3A_424 = arith.constant 4095 : i32
        %and3A_425 = vector.broadcast %and3A_424 : i32 to vector<16xi32>
        %and3A_426 = arith.andi %shift_right_arithmetic3A_423, %and3A_425 : vector<16xi32>
        %gather3A_427 = tpu.vector_load_idx %arg9[%and3A_426] : memref<4096xf32, #tpu.memory_space<vmem>>[vector<16xi32>], vector<16xf32>,
        %convert_element_type3A_428 = arith.sitofp %bitcast3A_420 : vector<16xi32> to vector<16xf32>
        %mul3A_429 = arith.constant 8.26295832E-8 : f32
        %mul3A_430 = vector.broadcast %mul3A_429 : f32 to vector<16xf32>
        %mul3A_431 = arith.mulf %convert_element_type3A_428, %mul3A_430 : vector<16xf32>
        %add3A_432 = arith.addf %mul3A_431, %gather3A_427 : vector<16xf32>
        %mul3A_433 = arith.constant 16 : i32
        %mul3A_434 = arith.muli %scan3A_239, %mul3A_433 : i32
        %add3A_435 = arith.constant 9 : i32
        %add3A_436 = arith.addi %mul3A_434, %add3A_435 : i32
        %get3A_437 = arith.constant 0 : i32
        %get3A_438 = arith.index_cast %get3A_437 : i32 to index
        %get3A_439 = arith.index_cast %add3A_436 : i32 to index
        %get3A_440 = arith.constant 0 : index
        %get3A_441 = tpu.vector_load %arg7[%get3A_438, %get3A_439, %get3A_440] {strides = array<i32>} : memref<2x128x16xf32, #tpu.memory_space<vmem>>, vector<16xf32>,
        %bitcast3A_442 = vector.bitcast %get3A_441 : vector<16xf32> to vector<16xi32>
        %shift_right_arithmetic3A_443 = arith.constant 11 : i32
        %shift_right_arithmetic3A_444 = vector.broadcast %shift_right_arithmetic3A_443 : i32 to vector<16xi32>
        %shift_right_arithmetic3A_445 = arith.shrsi %bitcast3A_442, %shift_right_arithmetic3A_444 : vector<16xi32>
        %and3A_446 = arith.constant 4095 : i32
        %and3A_447 = vector.broadcast %and3A_446 : i32 to vector<16xi32>
        %and3A_448 = arith.andi %shift_right_arithmetic3A_445, %and3A_447 : vector<16xi32>
        %gather3A_449 = tpu.vector_load_idx %arg9[%and3A_448] : memref<4096xf32, #tpu.memory_space<vmem>>[vector<16xi32>], vector<16xf32>,
        %convert_element_type3A_450 = arith.sitofp %bitcast3A_442 : vector<16xi32> to vector<16xf32>
        %mul3A_451 = arith.constant 8.26295832E-8 : f32
        %mul3A_452 = vector.broadcast %mul3A_451 : f32 to vector<16xf32>
        %mul3A_453 = arith.mulf %convert_element_type3A_450, %mul3A_452 : vector<16xf32>
        %add3A_454 = arith.addf %mul3A_453, %gather3A_449 : vector<16xf32>
        %mul3A_455 = arith.constant 16 : i32
        %mul3A_456 = arith.muli %scan3A_239, %mul3A_455 : i32
        %add3A_457 = arith.constant 10 : i32
        %add3A_458 = arith.addi %mul3A_456, %add3A_457 : i32
        %get3A_459 = arith.constant 0 : i32
        %get3A_460 = arith.index_cast %get3A_459 : i32 to index
        %get3A_461 = arith.index_cast %add3A_458 : i32 to index
        %get3A_462 = arith.constant 0 : index
        %get3A_463 = tpu.vector_load %arg7[%get3A_460, %get3A_461, %get3A_462] {strides = array<i32>} : memref<2x128x16xf32, #tpu.memory_space<vmem>>, vector<16xf32>,
        %bitcast3A_464 = vector.bitcast %get3A_463 : vector<16xf32> to vector<16xi32>
        %shift_right_arithmetic3A_465 = arith.constant 11 : i32
        %shift_right_arithmetic3A_466 = vector.broadcast %shift_right_arithmetic3A_465 : i32 to vector<16xi32>
        %shift_right_arithmetic3A_467 = arith.shrsi %bitcast3A_464, %shift_right_arithmetic3A_466 : vector<16xi32>
        %and3A_468 = arith.constant 4095 : i32
        %and3A_469 = vector.broadcast %and3A_468 : i32 to vector<16xi32>
        %and3A_470 = arith.andi %shift_right_arithmetic3A_467, %and3A_469 : vector<16xi32>
        %gather3A_471 = tpu.vector_load_idx %arg9[%and3A_470] : memref<4096xf32, #tpu.memory_space<vmem>>[vector<16xi32>], vector<16xf32>,
        %convert_element_type3A_472 = arith.sitofp %bitcast3A_464 : vector<16xi32> to vector<16xf32>
        %mul3A_473 = arith.constant 8.26295832E-8 : f32
        %mul3A_474 = vector.broadcast %mul3A_473 : f32 to vector<16xf32>
        %mul3A_475 = arith.mulf %convert_element_type3A_472, %mul3A_474 : vector<16xf32>
        %add3A_476 = arith.addf %mul3A_475, %gather3A_471 : vector<16xf32>
        %mul3A_477 = arith.constant 16 : i32
        %mul3A_478 = arith.muli %scan3A_239, %mul3A_477 : i32
        %add3A_479 = arith.constant 11 : i32
        %add3A_480 = arith.addi %mul3A_478, %add3A_479 : i32
        %get3A_481 = arith.constant 0 : i32
        %get3A_482 = arith.index_cast %get3A_481 : i32 to index
        %get3A_483 = arith.index_cast %add3A_480 : i32 to index
        %get3A_484 = arith.constant 0 : index
        %get3A_485 = tpu.vector_load %arg7[%get3A_482, %get3A_483, %get3A_484] {strides = array<i32>} : memref<2x128x16xf32, #tpu.memory_space<vmem>>, vector<16xf32>,
        %bitcast3A_486 = vector.bitcast %get3A_485 : vector<16xf32> to vector<16xi32>
        %shift_right_arithmetic3A_487 = arith.constant 11 : i32
        %shift_right_arithmetic3A_488 = vector.broadcast %shift_right_arithmetic3A_487 : i32 to vector<16xi32>
        %shift_right_arithmetic3A_489 = arith.shrsi %bitcast3A_486, %shift_right_arithmetic3A_488 : vector<16xi32>
        %and3A_490 = arith.constant 4095 : i32
        %and3A_491 = vector.broadcast %and3A_490 : i32 to vector<16xi32>
        %and3A_492 = arith.andi %shift_right_arithmetic3A_489, %and3A_491 : vector<16xi32>
        %gather3A_493 = tpu.vector_load_idx %arg9[%and3A_492] : memref<4096xf32, #tpu.memory_space<vmem>>[vector<16xi32>], vector<16xf32>,
        %convert_element_type3A_494 = arith.sitofp %bitcast3A_486 : vector<16xi32> to vector<16xf32>
        %mul3A_495 = arith.constant 8.26295832E-8 : f32
        %mul3A_496 = vector.broadcast %mul3A_495 : f32 to vector<16xf32>
        %mul3A_497 = arith.mulf %convert_element_type3A_494, %mul3A_496 : vector<16xf32>
        %add3A_498 = arith.addf %mul3A_497, %gather3A_493 : vector<16xf32>
        %mul3A_499 = arith.constant 16 : i32
        %mul3A_500 = arith.muli %scan3A_239, %mul3A_499 : i32
        %add3A_501 = arith.constant 12 : i32
        %add3A_502 = arith.addi %mul3A_500, %add3A_501 : i32
        %get3A_503 = arith.constant 0 : i32
        %get3A_504 = arith.index_cast %get3A_503 : i32 to index
        %get3A_505 = arith.index_cast %add3A_502 : i32 to index
        %get3A_506 = arith.constant 0 : index
        %get3A_507 = tpu.vector_load %arg7[%get3A_504, %get3A_505, %get3A_506] {strides = array<i32>} : memref<2x128x16xf32, #tpu.memory_space<vmem>>, vector<16xf32>,
        %bitcast3A_508 = vector.bitcast %get3A_507 : vector<16xf32> to vector<16xi32>
        %shift_right_arithmetic3A_509 = arith.constant 11 : i32
        %shift_right_arithmetic3A_510 = vector.broadcast %shift_right_arithmetic3A_509 : i32 to vector<16xi32>
        %shift_right_arithmetic3A_511 = arith.shrsi %bitcast3A_508, %shift_right_arithmetic3A_510 : vector<16xi32>
        %and3A_512 = arith.constant 4095 : i32
        %and3A_513 = vector.broadcast %and3A_512 : i32 to vector<16xi32>
        %and3A_514 = arith.andi %shift_right_arithmetic3A_511, %and3A_513 : vector<16xi32>
        %gather3A_515 = tpu.vector_load_idx %arg9[%and3A_514] : memref<4096xf32, #tpu.memory_space<vmem>>[vector<16xi32>], vector<16xf32>,
        %convert_element_type3A_516 = arith.sitofp %bitcast3A_508 : vector<16xi32> to vector<16xf32>
        %mul3A_517 = arith.constant 8.26295832E-8 : f32
        %mul3A_518 = vector.broadcast %mul3A_517 : f32 to vector<16xf32>
        %mul3A_519 = arith.mulf %convert_element_type3A_516, %mul3A_518 : vector<16xf32>
        %add3A_520 = arith.addf %mul3A_519, %gather3A_515 : vector<16xf32>
        %mul3A_521 = arith.constant 16 : i32
        %mul3A_522 = arith.muli %scan3A_239, %mul3A_521 : i32
        %add3A_523 = arith.constant 13 : i32
        %add3A_524 = arith.addi %mul3A_522, %add3A_523 : i32
        %get3A_525 = arith.constant 0 : i32
        %get3A_526 = arith.index_cast %get3A_525 : i32 to index
        %get3A_527 = arith.index_cast %add3A_524 : i32 to index
        %get3A_528 = arith.constant 0 : index
        %get3A_529 = tpu.vector_load %arg7[%get3A_526, %get3A_527, %get3A_528] {strides = array<i32>} : memref<2x128x16xf32, #tpu.memory_space<vmem>>, vector<16xf32>,
        %bitcast3A_530 = vector.bitcast %get3A_529 : vector<16xf32> to vector<16xi32>
        %shift_right_arithmetic3A_531 = arith.constant 11 : i32
        %shift_right_arithmetic3A_532 = vector.broadcast %shift_right_arithmetic3A_531 : i32 to vector<16xi32>
        %shift_right_arithmetic3A_533 = arith.shrsi %bitcast3A_530, %shift_right_arithmetic3A_532 : vector<16xi32>
        %and3A_534 = arith.constant 4095 : i32
        %and3A_535 = vector.broadcast %and3A_534 : i32 to vector<16xi32>
        %and3A_536 = arith.andi %shift_right_arithmetic3A_533, %and3A_535 : vector<16xi32>
        %gather3A_537 = tpu.vector_load_idx %arg9[%and3A_536] : memref<4096xf32, #tpu.memory_space<vmem>>[vector<16xi32>], vector<16xf32>,
        %convert_element_type3A_538 = arith.sitofp %bitcast3A_530 : vector<16xi32> to vector<16xf32>
        %mul3A_539 = arith.constant 8.26295832E-8 : f32
        %mul3A_540 = vector.broadcast %mul3A_539 : f32 to vector<16xf32>
        %mul3A_541 = arith.mulf %convert_element_type3A_538, %mul3A_540 : vector<16xf32>
        %add3A_542 = arith.addf %mul3A_541, %gather3A_537 : vector<16xf32>
        %mul3A_543 = arith.constant 16 : i32
        %mul3A_544 = arith.muli %scan3A_239, %mul3A_543 : i32
        %add3A_545 = arith.constant 14 : i32
        %add3A_546 = arith.addi %mul3A_544, %add3A_545 : i32
        %get3A_547 = arith.constant 0 : i32
        %get3A_548 = arith.index_cast %get3A_547 : i32 to index
        %get3A_549 = arith.index_cast %add3A_546 : i32 to index
        %get3A_550 = arith.constant 0 : index
        %get3A_551 = tpu.vector_load %arg7[%get3A_548, %get3A_549, %get3A_550] {strides = array<i32>} : memref<2x128x16xf32, #tpu.memory_space<vmem>>, vector<16xf32>,
        %bitcast3A_552 = vector.bitcast %get3A_551 : vector<16xf32> to vector<16xi32>
        %shift_right_arithmetic3A_553 = arith.constant 11 : i32
        %shift_right_arithmetic3A_554 = vector.broadcast %shift_right_arithmetic3A_553 : i32 to vector<16xi32>
        %shift_right_arithmetic3A_555 = arith.shrsi %bitcast3A_552, %shift_right_arithmetic3A_554 : vector<16xi32>
        %and3A_556 = arith.constant 4095 : i32
        %and3A_557 = vector.broadcast %and3A_556 : i32 to vector<16xi32>
        %and3A_558 = arith.andi %shift_right_arithmetic3A_555, %and3A_557 : vector<16xi32>
        %gather3A_559 = tpu.vector_load_idx %arg9[%and3A_558] : memref<4096xf32, #tpu.memory_space<vmem>>[vector<16xi32>], vector<16xf32>,
        %convert_element_type3A_560 = arith.sitofp %bitcast3A_552 : vector<16xi32> to vector<16xf32>
        %mul3A_561 = arith.constant 8.26295832E-8 : f32
        %mul3A_562 = vector.broadcast %mul3A_561 : f32 to vector<16xf32>
        %mul3A_563 = arith.mulf %convert_element_type3A_560, %mul3A_562 : vector<16xf32>
        %add3A_564 = arith.addf %mul3A_563, %gather3A_559 : vector<16xf32>
        %mul3A_565 = arith.constant 16 : i32
        %mul3A_566 = arith.muli %scan3A_239, %mul3A_565 : i32
        %add3A_567 = arith.constant 15 : i32
        %add3A_568 = arith.addi %mul3A_566, %add3A_567 : i32
        %get3A_569 = arith.constant 0 : i32
        %get3A_570 = arith.index_cast %get3A_569 : i32 to index
        %get3A_571 = arith.index_cast %add3A_568 : i32 to index
        %get3A_572 = arith.constant 0 : index
        %get3A_573 = tpu.vector_load %arg7[%get3A_570, %get3A_571, %get3A_572] {strides = array<i32>} : memref<2x128x16xf32, #tpu.memory_space<vmem>>, vector<16xf32>,
        %bitcast3A_574 = vector.bitcast %get3A_573 : vector<16xf32> to vector<16xi32>
        %shift_right_arithmetic3A_575 = arith.constant 11 : i32
        %shift_right_arithmetic3A_576 = vector.broadcast %shift_right_arithmetic3A_575 : i32 to vector<16xi32>
        %shift_right_arithmetic3A_577 = arith.shrsi %bitcast3A_574, %shift_right_arithmetic3A_576 : vector<16xi32>
        %and3A_578 = arith.constant 4095 : i32
        %and3A_579 = vector.broadcast %and3A_578 : i32 to vector<16xi32>
        %and3A_580 = arith.andi %shift_right_arithmetic3A_577, %and3A_579 : vector<16xi32>
        %gather3A_581 = tpu.vector_load_idx %arg9[%and3A_580] : memref<4096xf32, #tpu.memory_space<vmem>>[vector<16xi32>], vector<16xf32>,
        %convert_element_type3A_582 = arith.sitofp %bitcast3A_574 : vector<16xi32> to vector<16xf32>
        %mul3A_583 = arith.constant 8.26295832E-8 : f32
        %mul3A_584 = vector.broadcast %mul3A_583 : f32 to vector<16xf32>
        %mul3A_585 = arith.mulf %convert_element_type3A_582, %mul3A_584 : vector<16xf32>
        %add3A_586 = arith.addf %mul3A_585, %gather3A_581 : vector<16xf32>
        %mul3A_587 = arith.constant 16 : i32
        %mul3A_588 = arith.muli %scan3A_239, %mul3A_587 : i32
        %add3A_589 = arith.constant 0 : i32
        %add3A_590 = arith.addi %mul3A_588, %add3A_589 : i32
        %broadcast_in_dim3A = vector.broadcast %add3A_590 : i32 to vector<16xi32>
        %scatter3A = arith.constant 0 : i32
        %scatter3A_591 = arith.constant 0 : i32
        %scatter3A_592 = arith.constant 0 : i32
        %scatter3A_593 = tpu.memref_slice %arg8[%scatter3A, %scatter3A_591, %scatter3A_592] : memref<2x16x128xf32, #tpu.memory_space<vmem>> -> memref<1x16x128xf32, #tpu.memory_space<vmem>>
        %scatter3A_594 = tpu.memref_squeeze %scatter3A_593 : memref<1x16x128xf32, #tpu.memory_space<vmem>> -> memref<16x128xf32, #tpu.memory_space<vmem>>
        tpu.vector_store_idx %scatter3A_594[%iota3A, %broadcast_in_dim3A], %add3A_256 : memref<16x128xf32, #tpu.memory_space<vmem>>[vector<16xi32>, vector<16xi32>], vector<16xf32>,
        %mul3A_595 = arith.constant 16 : i32
        %mul3A_596 = arith.muli %scan3A_239, %mul3A_595 : i32
        %add3A_597 = arith.constant 1 : i32
        %add3A_598 = arith.addi %mul3A_596, %add3A_597 : i32
        %broadcast_in_dim3A_599 = vector.broadcast %add3A_598 : i32 to vector<16xi32>
        %scatter3A_600 = arith.constant 0 : i32
        %scatter3A_601 = arith.constant 0 : i32
        %scatter3A_602 = arith.constant 0 : i32
        %scatter3A_603 = tpu.memref_slice %arg8[%scatter3A_600, %scatter3A_601, %scatter3A_602] : memref<2x16x128xf32, #tpu.memory_space<vmem>> -> memref<1x16x128xf32, #tpu.memory_space<vmem>>
        %scatter3A_604 = tpu.memref_squeeze %scatter3A_603 : memref<1x16x128xf32, #tpu.memory_space<vmem>> -> memref<16x128xf32, #tpu.memory_space<vmem>>
        tpu.vector_store_idx %scatter3A_604[%iota3A, %broadcast_in_dim3A_599], %add3A_278 : memref<16x128xf32, #tpu.memory_space<vmem>>[vector<16xi32>, vector<16xi32>], vector<16xf32>,
        %mul3A_605 = arith.constant 16 : i32
        %mul3A_606 = arith.muli %scan3A_239, %mul3A_605 : i32
        %add3A_607 = arith.constant 2 : i32
        %add3A_608 = arith.addi %mul3A_606, %add3A_607 : i32
        %broadcast_in_dim3A_609 = vector.broadcast %add3A_608 : i32 to vector<16xi32>
        %scatter3A_610 = arith.constant 0 : i32
        %scatter3A_611 = arith.constant 0 : i32
        %scatter3A_612 = arith.constant 0 : i32
        %scatter3A_613 = tpu.memref_slice %arg8[%scatter3A_610, %scatter3A_611, %scatter3A_612] : memref<2x16x128xf32, #tpu.memory_space<vmem>> -> memref<1x16x128xf32, #tpu.memory_space<vmem>>
        %scatter3A_614 = tpu.memref_squeeze %scatter3A_613 : memref<1x16x128xf32, #tpu.memory_space<vmem>> -> memref<16x128xf32, #tpu.memory_space<vmem>>
        tpu.vector_store_idx %scatter3A_614[%iota3A, %broadcast_in_dim3A_609], %add3A_300 : memref<16x128xf32, #tpu.memory_space<vmem>>[vector<16xi32>, vector<16xi32>], vector<16xf32>,
        %mul3A_615 = arith.constant 16 : i32
        %mul3A_616 = arith.muli %scan3A_239, %mul3A_615 : i32
        %add3A_617 = arith.constant 3 : i32
        %add3A_618 = arith.addi %mul3A_616, %add3A_617 : i32
        %broadcast_in_dim3A_619 = vector.broadcast %add3A_618 : i32 to vector<16xi32>
        %scatter3A_620 = arith.constant 0 : i32
        %scatter3A_621 = arith.constant 0 : i32
        %scatter3A_622 = arith.constant 0 : i32
        %scatter3A_623 = tpu.memref_slice %arg8[%scatter3A_620, %scatter3A_621, %scatter3A_622] : memref<2x16x128xf32, #tpu.memory_space<vmem>> -> memref<1x16x128xf32, #tpu.memory_space<vmem>>
        %scatter3A_624 = tpu.memref_squeeze %scatter3A_623 : memref<1x16x128xf32, #tpu.memory_space<vmem>> -> memref<16x128xf32, #tpu.memory_space<vmem>>
        tpu.vector_store_idx %scatter3A_624[%iota3A, %broadcast_in_dim3A_619], %add3A_322 : memref<16x128xf32, #tpu.memory_space<vmem>>[vector<16xi32>, vector<16xi32>], vector<16xf32>,
        %mul3A_625 = arith.constant 16 : i32
        %mul3A_626 = arith.muli %scan3A_239, %mul3A_625 : i32
        %add3A_627 = arith.constant 4 : i32
        %add3A_628 = arith.addi %mul3A_626, %add3A_627 : i32
        %broadcast_in_dim3A_629 = vector.broadcast %add3A_628 : i32 to vector<16xi32>
        %scatter3A_630 = arith.constant 0 : i32
        %scatter3A_631 = arith.constant 0 : i32
        %scatter3A_632 = arith.constant 0 : i32
        %scatter3A_633 = tpu.memref_slice %arg8[%scatter3A_630, %scatter3A_631, %scatter3A_632] : memref<2x16x128xf32, #tpu.memory_space<vmem>> -> memref<1x16x128xf32, #tpu.memory_space<vmem>>
        %scatter3A_634 = tpu.memref_squeeze %scatter3A_633 : memref<1x16x128xf32, #tpu.memory_space<vmem>> -> memref<16x128xf32, #tpu.memory_space<vmem>>
        tpu.vector_store_idx %scatter3A_634[%iota3A, %broadcast_in_dim3A_629], %add3A_344 : memref<16x128xf32, #tpu.memory_space<vmem>>[vector<16xi32>, vector<16xi32>], vector<16xf32>,
        %mul3A_635 = arith.constant 16 : i32
        %mul3A_636 = arith.muli %scan3A_239, %mul3A_635 : i32
        %add3A_637 = arith.constant 5 : i32
        %add3A_638 = arith.addi %mul3A_636, %add3A_637 : i32
        %broadcast_in_dim3A_639 = vector.broadcast %add3A_638 : i32 to vector<16xi32>
        %scatter3A_640 = arith.constant 0 : i32
        %scatter3A_641 = arith.constant 0 : i32
        %scatter3A_642 = arith.constant 0 : i32
        %scatter3A_643 = tpu.memref_slice %arg8[%scatter3A_640, %scatter3A_641, %scatter3A_642] : memref<2x16x128xf32, #tpu.memory_space<vmem>> -> memref<1x16x128xf32, #tpu.memory_space<vmem>>
        %scatter3A_644 = tpu.memref_squeeze %scatter3A_643 : memref<1x16x128xf32, #tpu.memory_space<vmem>> -> memref<16x128xf32, #tpu.memory_space<vmem>>
        tpu.vector_store_idx %scatter3A_644[%iota3A, %broadcast_in_dim3A_639], %add3A_366 : memref<16x128xf32, #tpu.memory_space<vmem>>[vector<16xi32>, vector<16xi32>], vector<16xf32>,
        %mul3A_645 = arith.constant 16 : i32
        %mul3A_646 = arith.muli %scan3A_239, %mul3A_645 : i32
        %add3A_647 = arith.constant 6 : i32
        %add3A_648 = arith.addi %mul3A_646, %add3A_647 : i32
        %broadcast_in_dim3A_649 = vector.broadcast %add3A_648 : i32 to vector<16xi32>
        %scatter3A_650 = arith.constant 0 : i32
        %scatter3A_651 = arith.constant 0 : i32
        %scatter3A_652 = arith.constant 0 : i32
        %scatter3A_653 = tpu.memref_slice %arg8[%scatter3A_650, %scatter3A_651, %scatter3A_652] : memref<2x16x128xf32, #tpu.memory_space<vmem>> -> memref<1x16x128xf32, #tpu.memory_space<vmem>>
        %scatter3A_654 = tpu.memref_squeeze %scatter3A_653 : memref<1x16x128xf32, #tpu.memory_space<vmem>> -> memref<16x128xf32, #tpu.memory_space<vmem>>
        tpu.vector_store_idx %scatter3A_654[%iota3A, %broadcast_in_dim3A_649], %add3A_388 : memref<16x128xf32, #tpu.memory_space<vmem>>[vector<16xi32>, vector<16xi32>], vector<16xf32>,
        %mul3A_655 = arith.constant 16 : i32
        %mul3A_656 = arith.muli %scan3A_239, %mul3A_655 : i32
        %add3A_657 = arith.constant 7 : i32
        %add3A_658 = arith.addi %mul3A_656, %add3A_657 : i32
        %broadcast_in_dim3A_659 = vector.broadcast %add3A_658 : i32 to vector<16xi32>
        %scatter3A_660 = arith.constant 0 : i32
        %scatter3A_661 = arith.constant 0 : i32
        %scatter3A_662 = arith.constant 0 : i32
        %scatter3A_663 = tpu.memref_slice %arg8[%scatter3A_660, %scatter3A_661, %scatter3A_662] : memref<2x16x128xf32, #tpu.memory_space<vmem>> -> memref<1x16x128xf32, #tpu.memory_space<vmem>>
        %scatter3A_664 = tpu.memref_squeeze %scatter3A_663 : memref<1x16x128xf32, #tpu.memory_space<vmem>> -> memref<16x128xf32, #tpu.memory_space<vmem>>
        tpu.vector_store_idx %scatter3A_664[%iota3A, %broadcast_in_dim3A_659], %add3A_410 : memref<16x128xf32, #tpu.memory_space<vmem>>[vector<16xi32>, vector<16xi32>], vector<16xf32>,
        %mul3A_665 = arith.constant 16 : i32
        %mul3A_666 = arith.muli %scan3A_239, %mul3A_665 : i32
        %add3A_667 = arith.constant 8 : i32
        %add3A_668 = arith.addi %mul3A_666, %add3A_667 : i32
        %broadcast_in_dim3A_669 = vector.broadcast %add3A_668 : i32 to vector<16xi32>
        %scatter3A_670 = arith.constant 0 : i32
        %scatter3A_671 = arith.constant 0 : i32
        %scatter3A_672 = arith.constant 0 : i32
        %scatter3A_673 = tpu.memref_slice %arg8[%scatter3A_670, %scatter3A_671, %scatter3A_672] : memref<2x16x128xf32, #tpu.memory_space<vmem>> -> memref<1x16x128xf32, #tpu.memory_space<vmem>>
        %scatter3A_674 = tpu.memref_squeeze %scatter3A_673 : memref<1x16x128xf32, #tpu.memory_space<vmem>> -> memref<16x128xf32, #tpu.memory_space<vmem>>
        tpu.vector_store_idx %scatter3A_674[%iota3A, %broadcast_in_dim3A_669], %add3A_432 : memref<16x128xf32, #tpu.memory_space<vmem>>[vector<16xi32>, vector<16xi32>], vector<16xf32>,
        %mul3A_675 = arith.constant 16 : i32
        %mul3A_676 = arith.muli %scan3A_239, %mul3A_675 : i32
        %add3A_677 = arith.constant 9 : i32
        %add3A_678 = arith.addi %mul3A_676, %add3A_677 : i32
        %broadcast_in_dim3A_679 = vector.broadcast %add3A_678 : i32 to vector<16xi32>
        %scatter3A_680 = arith.constant 0 : i32
        %scatter3A_681 = arith.constant 0 : i32
        %scatter3A_682 = arith.constant 0 : i32
        %scatter3A_683 = tpu.memref_slice %arg8[%scatter3A_680, %scatter3A_681, %scatter3A_682] : memref<2x16x128xf32, #tpu.memory_space<vmem>> -> memref<1x16x128xf32, #tpu.memory_space<vmem>>
        %scatter3A_684 = tpu.memref_squeeze %scatter3A_683 : memref<1x16x128xf32, #tpu.memory_space<vmem>> -> memref<16x128xf32, #tpu.memory_space<vmem>>
        tpu.vector_store_idx %scatter3A_684[%iota3A, %broadcast_in_dim3A_679], %add3A_454 : memref<16x128xf32, #tpu.memory_space<vmem>>[vector<16xi32>, vector<16xi32>], vector<16xf32>,
        %mul3A_685 = arith.constant 16 : i32
        %mul3A_686 = arith.muli %scan3A_239, %mul3A_685 : i32
        %add3A_687 = arith.constant 10 : i32
        %add3A_688 = arith.addi %mul3A_686, %add3A_687 : i32
        %broadcast_in_dim3A_689 = vector.broadcast %add3A_688 : i32 to vector<16xi32>
        %scatter3A_690 = arith.constant 0 : i32
        %scatter3A_691 = arith.constant 0 : i32
        %scatter3A_692 = arith.constant 0 : i32
        %scatter3A_693 = tpu.memref_slice %arg8[%scatter3A_690, %scatter3A_691, %scatter3A_692] : memref<2x16x128xf32, #tpu.memory_space<vmem>> -> memref<1x16x128xf32, #tpu.memory_space<vmem>>
        %scatter3A_694 = tpu.memref_squeeze %scatter3A_693 : memref<1x16x128xf32, #tpu.memory_space<vmem>> -> memref<16x128xf32, #tpu.memory_space<vmem>>
        tpu.vector_store_idx %scatter3A_694[%iota3A, %broadcast_in_dim3A_689], %add3A_476 : memref<16x128xf32, #tpu.memory_space<vmem>>[vector<16xi32>, vector<16xi32>], vector<16xf32>,
        %mul3A_695 = arith.constant 16 : i32
        %mul3A_696 = arith.muli %scan3A_239, %mul3A_695 : i32
        %add3A_697 = arith.constant 11 : i32
        %add3A_698 = arith.addi %mul3A_696, %add3A_697 : i32
        %broadcast_in_dim3A_699 = vector.broadcast %add3A_698 : i32 to vector<16xi32>
        %scatter3A_700 = arith.constant 0 : i32
        %scatter3A_701 = arith.constant 0 : i32
        %scatter3A_702 = arith.constant 0 : i32
        %scatter3A_703 = tpu.memref_slice %arg8[%scatter3A_700, %scatter3A_701, %scatter3A_702] : memref<2x16x128xf32, #tpu.memory_space<vmem>> -> memref<1x16x128xf32, #tpu.memory_space<vmem>>
        %scatter3A_704 = tpu.memref_squeeze %scatter3A_703 : memref<1x16x128xf32, #tpu.memory_space<vmem>> -> memref<16x128xf32, #tpu.memory_space<vmem>>
        tpu.vector_store_idx %scatter3A_704[%iota3A, %broadcast_in_dim3A_699], %add3A_498 : memref<16x128xf32, #tpu.memory_space<vmem>>[vector<16xi32>, vector<16xi32>], vector<16xf32>,
        %mul3A_705 = arith.constant 16 : i32
        %mul3A_706 = arith.muli %scan3A_239, %mul3A_705 : i32
        %add3A_707 = arith.constant 12 : i32
        %add3A_708 = arith.addi %mul3A_706, %add3A_707 : i32
        %broadcast_in_dim3A_709 = vector.broadcast %add3A_708 : i32 to vector<16xi32>
        %scatter3A_710 = arith.constant 0 : i32
        %scatter3A_711 = arith.constant 0 : i32
        %scatter3A_712 = arith.constant 0 : i32
        %scatter3A_713 = tpu.memref_slice %arg8[%scatter3A_710, %scatter3A_711, %scatter3A_712] : memref<2x16x128xf32, #tpu.memory_space<vmem>> -> memref<1x16x128xf32, #tpu.memory_space<vmem>>
        %scatter3A_714 = tpu.memref_squeeze %scatter3A_713 : memref<1x16x128xf32, #tpu.memory_space<vmem>> -> memref<16x128xf32, #tpu.memory_space<vmem>>
        tpu.vector_store_idx %scatter3A_714[%iota3A, %broadcast_in_dim3A_709], %add3A_520 : memref<16x128xf32, #tpu.memory_space<vmem>>[vector<16xi32>, vector<16xi32>], vector<16xf32>,
        %mul3A_715 = arith.constant 16 : i32
        %mul3A_716 = arith.muli %scan3A_239, %mul3A_715 : i32
        %add3A_717 = arith.constant 13 : i32
        %add3A_718 = arith.addi %mul3A_716, %add3A_717 : i32
        %broadcast_in_dim3A_719 = vector.broadcast %add3A_718 : i32 to vector<16xi32>
        %scatter3A_720 = arith.constant 0 : i32
        %scatter3A_721 = arith.constant 0 : i32
        %scatter3A_722 = arith.constant 0 : i32
        %scatter3A_723 = tpu.memref_slice %arg8[%scatter3A_720, %scatter3A_721, %scatter3A_722] : memref<2x16x128xf32, #tpu.memory_space<vmem>> -> memref<1x16x128xf32, #tpu.memory_space<vmem>>
        %scatter3A_724 = tpu.memref_squeeze %scatter3A_723 : memref<1x16x128xf32, #tpu.memory_space<vmem>> -> memref<16x128xf32, #tpu.memory_space<vmem>>
        tpu.vector_store_idx %scatter3A_724[%iota3A, %broadcast_in_dim3A_719], %add3A_542 : memref<16x128xf32, #tpu.memory_space<vmem>>[vector<16xi32>, vector<16xi32>], vector<16xf32>,
        %mul3A_725 = arith.constant 16 : i32
        %mul3A_726 = arith.muli %scan3A_239, %mul3A_725 : i32
        %add3A_727 = arith.constant 14 : i32
        %add3A_728 = arith.addi %mul3A_726, %add3A_727 : i32
        %broadcast_in_dim3A_729 = vector.broadcast %add3A_728 : i32 to vector<16xi32>
        %scatter3A_730 = arith.constant 0 : i32
        %scatter3A_731 = arith.constant 0 : i32
        %scatter3A_732 = arith.constant 0 : i32
        %scatter3A_733 = tpu.memref_slice %arg8[%scatter3A_730, %scatter3A_731, %scatter3A_732] : memref<2x16x128xf32, #tpu.memory_space<vmem>> -> memref<1x16x128xf32, #tpu.memory_space<vmem>>
        %scatter3A_734 = tpu.memref_squeeze %scatter3A_733 : memref<1x16x128xf32, #tpu.memory_space<vmem>> -> memref<16x128xf32, #tpu.memory_space<vmem>>
        tpu.vector_store_idx %scatter3A_734[%iota3A, %broadcast_in_dim3A_729], %add3A_564 : memref<16x128xf32, #tpu.memory_space<vmem>>[vector<16xi32>, vector<16xi32>], vector<16xf32>,
        %mul3A_735 = arith.constant 16 : i32
        %mul3A_736 = arith.muli %scan3A_239, %mul3A_735 : i32
        %add3A_737 = arith.constant 15 : i32
        %add3A_738 = arith.addi %mul3A_736, %add3A_737 : i32
        %broadcast_in_dim3A_739 = vector.broadcast %add3A_738 : i32 to vector<16xi32>
        %scatter3A_740 = arith.constant 0 : i32
        %scatter3A_741 = arith.constant 0 : i32
        %scatter3A_742 = arith.constant 0 : i32
        %scatter3A_743 = tpu.memref_slice %arg8[%scatter3A_740, %scatter3A_741, %scatter3A_742] : memref<2x16x128xf32, #tpu.memory_space<vmem>> -> memref<1x16x128xf32, #tpu.memory_space<vmem>>
        %scatter3A_744 = tpu.memref_squeeze %scatter3A_743 : memref<1x16x128xf32, #tpu.memory_space<vmem>> -> memref<16x128xf32, #tpu.memory_space<vmem>>
        tpu.vector_store_idx %scatter3A_744[%iota3A, %broadcast_in_dim3A_739], %add3A_586 : memref<16x128xf32, #tpu.memory_space<vmem>>[vector<16xi32>, vector<16xi32>], vector<16xf32>,
      }
      %scan3A_134 = arith.constant 8 : i32
      %dma_start3A_135 = arith.constant 0 : i32
      %dma_start3A_136 = arith.constant 0 : i32
      %dma_start3A_137 = arith.constant 0 : i32
      %dma_start3A_138 = arith.constant 0 : i32
      %dma_start3A_139 = tpu.memref_slice %arg8[%dma_start3A_135, %dma_start3A_137, %dma_start3A_138] : memref<2x16x128xf32, #tpu.memory_space<vmem>> -> memref<1x8x128xf32, #tpu.memory_space<vmem>>
      %dma_start3A_140 = tpu.memref_squeeze %dma_start3A_139 : memref<1x8x128xf32, #tpu.memory_space<vmem>> -> memref<8x128xf32, #tpu.memory_space<vmem>>
      %dma_start3A_141 = arith.constant 0 : i32
      %dma_start3A_142 = arith.constant 0 : i32
      %dma_start3A_143 = tpu.memref_slice %arg5[%add3A_102, %dma_start3A_136, %add3A, %dma_start3A_141, %dma_start3A_142] : memref<200x2x32x8x128xf32, #tpu.memory_space<hbm>> -> memref<1x1x1x8x128xf32, #tpu.memory_space<hbm>>
      %dma_start3A_144 = tpu.memref_squeeze %dma_start3A_143 : memref<1x1x1x8x128xf32, #tpu.memory_space<hbm>> -> memref<8x128xf32, #tpu.memory_space<hbm>>
      %dma_start3A_145 = arith.constant 0 : i32
      %dma_start3A_146 = arith.constant 0 : i32
      %dma_start3A_147 = tpu.memref_slice %arg5[%add3A_102, %dma_start3A_136, %add3A, %dma_start3A_145, %dma_start3A_146] : memref<200x2x32x8x128xf32, #tpu.memory_space<hbm>> -> memref<1x1x1x8x128xf32, #tpu.memory_space<hbm>>
      %dma_start3A_148 = tpu.memref_squeeze %dma_start3A_147 : memref<1x1x1x8x128xf32, #tpu.memory_space<hbm>> -> memref<8x128xf32, #tpu.memory_space<hbm>>
      %dma_start3A_149 = arith.constant 0 : i32
      %dma_start3A_150 = arith.constant 0 : i32
      %dma_start3A_151 = tpu.memref_slice %arg8[%dma_start3A_135, %dma_start3A_149, %dma_start3A_150] : memref<2x16x128xf32, #tpu.memory_space<vmem>> -> memref<1x8x128xf32, #tpu.memory_space<vmem>>
      %dma_start3A_152 = tpu.memref_squeeze %dma_start3A_151 : memref<1x8x128xf32, #tpu.memory_space<vmem>> -> memref<8x128xf32, #tpu.memory_space<vmem>>
      tpu.enqueue_dma source(%dma_start3A_152 : memref<8x128xf32, #tpu.memory_space<vmem>>) target(%dma_start3A_148 : memref<8x128xf32, #tpu.memory_space<hbm>>) target_semaphore(%arg12 : memref<!tpu.dma_semaphore, #tpu.memory_space<semaphore_mem>>)
      %dma_start3A_153 = arith.constant 0 : i32
      %dma_start3A_154 = arith.constant 1 : i32
      %dma_start3A_155 = arith.constant 8 : i32
      %dma_start3A_156 = arith.constant 0 : i32
      %dma_start3A_157 = tpu.memref_slice %arg8[%dma_start3A_153, %dma_start3A_155, %dma_start3A_156] : memref<2x16x128xf32, #tpu.memory_space<vmem>> -> memref<1x8x128xf32, #tpu.memory_space<vmem>>
      %dma_start3A_158 = tpu.memref_squeeze %dma_start3A_157 : memref<1x8x128xf32, #tpu.memory_space<vmem>> -> memref<8x128xf32, #tpu.memory_space<vmem>>
      %dma_start3A_159 = arith.constant 0 : i32
      %dma_start3A_160 = arith.constant 0 : i32
      %dma_start3A_161 = tpu.memref_slice %arg5[%add3A_102, %dma_start3A_154, %add3A, %dma_start3A_159, %dma_start3A_160] : memref<200x2x32x8x128xf32, #tpu.memory_space<hbm>> -> memref<1x1x1x8x128xf32, #tpu.memory_space<hbm>>
      %dma_start3A_162 = tpu.memref_squeeze %dma_start3A_161 : memref<1x1x1x8x128xf32, #tpu.memory_space<hbm>> -> memref<8x128xf32, #tpu.memory_space<hbm>>
      %dma_start3A_163 = arith.constant 0 : i32
      %dma_start3A_164 = arith.constant 0 : i32
      %dma_start3A_165 = tpu.memref_slice %arg5[%add3A_102, %dma_start3A_154, %add3A, %dma_start3A_163, %dma_start3A_164] : memref<200x2x32x8x128xf32, #tpu.memory_space<hbm>> -> memref<1x1x1x8x128xf32, #tpu.memory_space<hbm>>
      %dma_start3A_166 = tpu.memref_squeeze %dma_start3A_165 : memref<1x1x1x8x128xf32, #tpu.memory_space<hbm>> -> memref<8x128xf32, #tpu.memory_space<hbm>>
      %dma_start3A_167 = arith.constant 8 : i32
      %dma_start3A_168 = arith.constant 0 : i32
      %dma_start3A_169 = tpu.memref_slice %arg8[%dma_start3A_153, %dma_start3A_167, %dma_start3A_168] : memref<2x16x128xf32, #tpu.memory_space<vmem>> -> memref<1x8x128xf32, #tpu.memory_space<vmem>>
      %dma_start3A_170 = tpu.memref_squeeze %dma_start3A_169 : memref<1x8x128xf32, #tpu.memory_space<vmem>> -> memref<8x128xf32, #tpu.memory_space<vmem>>
      tpu.enqueue_dma source(%dma_start3A_170 : memref<8x128xf32, #tpu.memory_space<vmem>>) target(%dma_start3A_166 : memref<8x128xf32, #tpu.memory_space<hbm>>) target_semaphore(%arg12 : memref<!tpu.dma_semaphore, #tpu.memory_space<semaphore_mem>>)
      %mul3A_171 = arith.constant 2 : i32
      %mul3A_172 = arith.muli %mul3A_171, %scan3A_98 : i32
      %add3A_173 = arith.constant 1 : i32
      %add3A_174 = arith.addi %mul3A_172, %add3A_173 : i32
      %add3A_175 = arith.constant 1 : i32
      %add3A_176 = arith.addi %scan3A_98, %add3A_175 : i32
      %lt3A = arith.constant 100 : i32
      %lt3A_177 = arith.cmpi slt, %add3A_176, %lt3A : i32
      %convert_element_type3A_178 = arith.extui %lt3A_177 : i1 to i32
      %cond3A_179 = arith.constant 0 : i32
      %cond3A_180 = arith.cmpi ne, %convert_element_type3A_178, %cond3A_179 : i32
      scf.if %cond3A_180 {
        %add3A_239 = arith.constant 1 : i32
        %add3A_240 = arith.addi %add3A_174, %add3A_239 : i32
        %dma_start3A_241 = arith.constant 0 : i32
        %dma_start3A_242 = arith.constant 0 : i32
        %dma_start3A_243 = arith.constant 0 : i32
        %dma_start3A_244 = tpu.memref_slice %arg7[%dma_start3A_241, %dma_start3A_242, %dma_start3A_243] : memref<2x128x16xf32, #tpu.memory_space<vmem>> -> memref<1x128x16xf32, #tpu.memory_space<vmem>>
        %dma_start3A_245 = tpu.memref_squeeze %dma_start3A_244 : memref<1x128x16xf32, #tpu.memory_space<vmem>> -> memref<128x16xf32, #tpu.memory_space<vmem>>
        %dma_start3A_246 = arith.constant 0 : i32
        %dma_start3A_247 = tpu.memref_slice %arg6[%add3A_240, %dma_start3A_246] : memref<200x128xi32, #tpu.memory_space<vmem>> -> memref<1x128xi32, #tpu.memory_space<vmem>>
        %dma_start3A_248 = tpu.memref_squeeze %dma_start3A_247 : memref<1x128xi32, #tpu.memory_space<vmem>> -> memref<128xi32, #tpu.memory_space<vmem>>
        %dma_start3A_249 = arith.constant 0 : i32
        %dma_start3A_250 = arith.constant 0 : i32
        %dma_start3A_251 = tpu.memref_slice %arg3[%dma_start3A_249, %dma_start3A_250] : memref<1000000x16xf32, #tpu.memory_space<hbm>> -> memref<1000000x16xf32, #tpu.memory_space<hbm>>
        tpu.enqueue_indirect_dma source(%dma_start3A_251 : memref<1000000x16xf32, #tpu.memory_space<hbm>>) target(%dma_start3A_245 : memref<128x16xf32, #tpu.memory_space<vmem>>) offsets(%dma_start3A_248 : memref<128xi32, #tpu.memory_space<vmem>>) semaphore(%arg10 : memref<!tpu.dma_semaphore, #tpu.memory_space<semaphore_mem>>)
      } else {
      }
      %dma_wait3A_181 = arith.constant 1 : i32
      %dma_wait3A_182 = arith.constant 0 : i32
      %dma_wait3A_183 = arith.constant 0 : i32
      %dma_wait3A_184 = tpu.memref_slice %arg7[%dma_wait3A_181, %dma_wait3A_182, %dma_wait3A_183] : memref<2x128x16xf32, #tpu.memory_space<vmem>> -> memref<1x128x16xf32, #tpu.memory_space<vmem>>
      %dma_wait3A_185 = tpu.memref_squeeze %dma_wait3A_184 : memref<1x128x16xf32, #tpu.memory_space<vmem>> -> memref<128x16xf32, #tpu.memory_space<vmem>>
      %dma_wait3A_186 = arith.constant 0 : i32
      %dma_wait3A_187 = tpu.memref_slice %arg6[%add3A_174, %dma_wait3A_186] : memref<200x128xi32, #tpu.memory_space<vmem>> -> memref<1x128xi32, #tpu.memory_space<vmem>>
      %dma_wait3A_188 = tpu.memref_squeeze %dma_wait3A_187 : memref<1x128xi32, #tpu.memory_space<vmem>> -> memref<128xi32, #tpu.memory_space<vmem>>
      %dma_wait3A_189 = arith.constant 0 : i32
      %dma_wait3A_190 = arith.constant 0 : i32
      %dma_wait3A_191 = tpu.memref_slice %arg3[%dma_wait3A_189, %dma_wait3A_190] : memref<1000000x16xf32, #tpu.memory_space<hbm>> -> memref<1000000x16xf32, #tpu.memory_space<hbm>>
      tpu.wait_indirect_dma semaphore(%arg11 : memref<!tpu.dma_semaphore, #tpu.memory_space<semaphore_mem>>) src(%dma_wait3A_191 : memref<1000000x16xf32, #tpu.memory_space<hbm>>) dst(%dma_wait3A_185 : memref<128x16xf32, #tpu.memory_space<vmem>>)
      %ge3A_192 = arith.constant 1 : i32
      %ge3A_193 = arith.cmpi sge, %scan3A_98, %ge3A_192 : i32
      %convert_element_type3A_194 = arith.extui %ge3A_193 : i1 to i32
      %cond3A_195 = arith.constant 0 : i32
      %cond3A_196 = arith.cmpi ne, %convert_element_type3A_194, %cond3A_195 : i32
      scf.if %cond3A_196 {
        %dma_wait3A_239 = arith.constant 1 : i32
        %dma_wait3A_240 = arith.constant 0 : i32
        %dma_wait3A_241 = arith.constant 0 : i32
        %dma_wait3A_242 = arith.constant 0 : i32
        %dma_wait3A_243 = arith.constant 0 : i32
        %dma_wait3A_244 = arith.constant 0 : i32
        %dma_wait3A_245 = tpu.memref_slice %arg8[%dma_wait3A_239, %dma_wait3A_243, %dma_wait3A_244] : memref<2x16x128xf32, #tpu.memory_space<vmem>> -> memref<1x8x128xf32, #tpu.memory_space<vmem>>
        %dma_wait3A_246 = tpu.memref_squeeze %dma_wait3A_245 : memref<1x8x128xf32, #tpu.memory_space<vmem>> -> memref<8x128xf32, #tpu.memory_space<vmem>>
        %dma_wait3A_247 = arith.constant 0 : i32
        %dma_wait3A_248 = arith.constant 0 : i32
        %dma_wait3A_249 = tpu.memref_slice %arg5[%dma_wait3A_240, %dma_wait3A_241, %dma_wait3A_242, %dma_wait3A_247, %dma_wait3A_248] : memref<200x2x32x8x128xf32, #tpu.memory_space<hbm>> -> memref<1x1x1x8x128xf32, #tpu.memory_space<hbm>>
        %dma_wait3A_250 = tpu.memref_squeeze %dma_wait3A_249 : memref<1x1x1x8x128xf32, #tpu.memory_space<hbm>> -> memref<8x128xf32, #tpu.memory_space<hbm>>
        %dma_wait3A_251 = arith.constant 0 : i32
        %dma_wait3A_252 = arith.constant 0 : i32
        %dma_wait3A_253 = tpu.memref_slice %arg5[%dma_wait3A_240, %dma_wait3A_241, %dma_wait3A_242, %dma_wait3A_251, %dma_wait3A_252] : memref<200x2x32x8x128xf32, #tpu.memory_space<hbm>> -> memref<1x1x1x8x128xf32, #tpu.memory_space<hbm>>
        %dma_wait3A_254 = tpu.memref_squeeze %dma_wait3A_253 : memref<1x1x1x8x128xf32, #tpu.memory_space<hbm>> -> memref<8x128xf32, #tpu.memory_space<hbm>>
        %dma_wait3A_255 = arith.constant 0 : i32
        %dma_wait3A_256 = arith.constant 0 : i32
        %dma_wait3A_257 = tpu.memref_slice %arg8[%dma_wait3A_239, %dma_wait3A_255, %dma_wait3A_256] : memref<2x16x128xf32, #tpu.memory_space<vmem>> -> memref<1x8x128xf32, #tpu.memory_space<vmem>>
        %dma_wait3A_258 = tpu.memref_squeeze %dma_wait3A_257 : memref<1x8x128xf32, #tpu.memory_space<vmem>> -> memref<8x128xf32, #tpu.memory_space<vmem>>
        tpu.wait_dma2 semaphore(%arg13 : memref<!tpu.dma_semaphore, #tpu.memory_space<semaphore_mem>>) src(%dma_wait3A_258 : memref<8x128xf32, #tpu.memory_space<vmem>>) dst(%dma_wait3A_254 : memref<8x128xf32, #tpu.memory_space<hbm>>)
        %dma_wait3A_259 = arith.constant 1 : i32
        %dma_wait3A_260 = arith.constant 0 : i32
        %dma_wait3A_261 = arith.constant 0 : i32
        %dma_wait3A_262 = arith.constant 0 : i32
        %dma_wait3A_263 = arith.constant 0 : i32
        %dma_wait3A_264 = arith.constant 0 : i32
        %dma_wait3A_265 = tpu.memref_slice %arg8[%dma_wait3A_259, %dma_wait3A_263, %dma_wait3A_264] : memref<2x16x128xf32, #tpu.memory_space<vmem>> -> memref<1x8x128xf32, #tpu.memory_space<vmem>>
        %dma_wait3A_266 = tpu.memref_squeeze %dma_wait3A_265 : memref<1x8x128xf32, #tpu.memory_space<vmem>> -> memref<8x128xf32, #tpu.memory_space<vmem>>
        %dma_wait3A_267 = arith.constant 0 : i32
        %dma_wait3A_268 = arith.constant 0 : i32
        %dma_wait3A_269 = tpu.memref_slice %arg5[%dma_wait3A_260, %dma_wait3A_261, %dma_wait3A_262, %dma_wait3A_267, %dma_wait3A_268] : memref<200x2x32x8x128xf32, #tpu.memory_space<hbm>> -> memref<1x1x1x8x128xf32, #tpu.memory_space<hbm>>
        %dma_wait3A_270 = tpu.memref_squeeze %dma_wait3A_269 : memref<1x1x1x8x128xf32, #tpu.memory_space<hbm>> -> memref<8x128xf32, #tpu.memory_space<hbm>>
        %dma_wait3A_271 = arith.constant 0 : i32
        %dma_wait3A_272 = arith.constant 0 : i32
        %dma_wait3A_273 = tpu.memref_slice %arg5[%dma_wait3A_260, %dma_wait3A_261, %dma_wait3A_262, %dma_wait3A_271, %dma_wait3A_272] : memref<200x2x32x8x128xf32, #tpu.memory_space<hbm>> -> memref<1x1x1x8x128xf32, #tpu.memory_space<hbm>>
        %dma_wait3A_274 = tpu.memref_squeeze %dma_wait3A_273 : memref<1x1x1x8x128xf32, #tpu.memory_space<hbm>> -> memref<8x128xf32, #tpu.memory_space<hbm>>
        %dma_wait3A_275 = arith.constant 0 : i32
        %dma_wait3A_276 = arith.constant 0 : i32
        %dma_wait3A_277 = tpu.memref_slice %arg8[%dma_wait3A_259, %dma_wait3A_275, %dma_wait3A_276] : memref<2x16x128xf32, #tpu.memory_space<vmem>> -> memref<1x8x128xf32, #tpu.memory_space<vmem>>
        %dma_wait3A_278 = tpu.memref_squeeze %dma_wait3A_277 : memref<1x8x128xf32, #tpu.memory_space<vmem>> -> memref<8x128xf32, #tpu.memory_space<vmem>>
        tpu.wait_dma2 semaphore(%arg13 : memref<!tpu.dma_semaphore, #tpu.memory_space<semaphore_mem>>) src(%dma_wait3A_278 : memref<8x128xf32, #tpu.memory_space<vmem>>) dst(%dma_wait3A_274 : memref<8x128xf32, #tpu.memory_space<hbm>>)
      } else {
      }
      %scan3A_197 = arith.constant 0 : i32
      %scan3A_198 = arith.constant 0 : i32
      %scan3A_199 = arith.constant 8 : i32
      %scan3A_200 = arith.addi %scan3A_198, %scan3A_199 : i32
      %scan3A_201 = arith.constant 1 : i32
      scf.for %scan3A_239 = %scan3A_198 to %scan3A_200 step %scan3A_201  : i32 {
        %mul3A_240 = arith.constant 16 : i32
        %mul3A_241 = arith.muli %scan3A_239, %mul3A_240 : i32
        %add3A_242 = arith.constant 0 : i32
        %add3A_243 = arith.addi %mul3A_241, %add3A_242 : i32
        %get3A = arith.constant 1 : i32
        %get3A_244 = arith.index_cast %get3A : i32 to index
        %get3A_245 = arith.index_cast %add3A_243 : i32 to index
        %get3A_246 = arith.constant 0 : index
        %get3A_247 = tpu.vector_load %arg7[%get3A_244, %get3A_245, %get3A_246] {strides = array<i32>} : memref<2x128x16xf32, #tpu.memory_space<vmem>>, vector<16xf32>,
        %bitcast3A = vector.bitcast %get3A_247 : vector<16xf32> to vector<16xi32>
        %shift_right_arithmetic3A = arith.constant 11 : i32
        %shift_right_arithmetic3A_248 = vector.broadcast %shift_right_arithmetic3A : i32 to vector<16xi32>
        %shift_right_arithmetic3A_249 = arith.shrsi %bitcast3A, %shift_right_arithmetic3A_248 : vector<16xi32>
        %and3A = arith.constant 4095 : i32
        %and3A_250 = vector.broadcast %and3A : i32 to vector<16xi32>
        %and3A_251 = arith.andi %shift_right_arithmetic3A_249, %and3A_250 : vector<16xi32>
        %gather3A = tpu.vector_load_idx %arg9[%and3A_251] : memref<4096xf32, #tpu.memory_space<vmem>>[vector<16xi32>], vector<16xf32>,
        %convert_element_type3A_252 = arith.sitofp %bitcast3A : vector<16xi32> to vector<16xf32>
        %mul3A_253 = arith.constant 8.26295832E-8 : f32
        %mul3A_254 = vector.broadcast %mul3A_253 : f32 to vector<16xf32>
        %mul3A_255 = arith.mulf %convert_element_type3A_252, %mul3A_254 : vector<16xf32>
        %add3A_256 = arith.addf %mul3A_255, %gather3A : vector<16xf32>
        %mul3A_257 = arith.constant 16 : i32
        %mul3A_258 = arith.muli %scan3A_239, %mul3A_257 : i32
        %add3A_259 = arith.constant 1 : i32
        %add3A_260 = arith.addi %mul3A_258, %add3A_259 : i32
        %get3A_261 = arith.constant 1 : i32
        %get3A_262 = arith.index_cast %get3A_261 : i32 to index
        %get3A_263 = arith.index_cast %add3A_260 : i32 to index
        %get3A_264 = arith.constant 0 : index
        %get3A_265 = tpu.vector_load %arg7[%get3A_262, %get3A_263, %get3A_264] {strides = array<i32>} : memref<2x128x16xf32, #tpu.memory_space<vmem>>, vector<16xf32>,
        %bitcast3A_266 = vector.bitcast %get3A_265 : vector<16xf32> to vector<16xi32>
        %shift_right_arithmetic3A_267 = arith.constant 11 : i32
        %shift_right_arithmetic3A_268 = vector.broadcast %shift_right_arithmetic3A_267 : i32 to vector<16xi32>
        %shift_right_arithmetic3A_269 = arith.shrsi %bitcast3A_266, %shift_right_arithmetic3A_268 : vector<16xi32>
        %and3A_270 = arith.constant 4095 : i32
        %and3A_271 = vector.broadcast %and3A_270 : i32 to vector<16xi32>
        %and3A_272 = arith.andi %shift_right_arithmetic3A_269, %and3A_271 : vector<16xi32>
        %gather3A_273 = tpu.vector_load_idx %arg9[%and3A_272] : memref<4096xf32, #tpu.memory_space<vmem>>[vector<16xi32>], vector<16xf32>,
        %convert_element_type3A_274 = arith.sitofp %bitcast3A_266 : vector<16xi32> to vector<16xf32>
        %mul3A_275 = arith.constant 8.26295832E-8 : f32
        %mul3A_276 = vector.broadcast %mul3A_275 : f32 to vector<16xf32>
        %mul3A_277 = arith.mulf %convert_element_type3A_274, %mul3A_276 : vector<16xf32>
        %add3A_278 = arith.addf %mul3A_277, %gather3A_273 : vector<16xf32>
        %mul3A_279 = arith.constant 16 : i32
        %mul3A_280 = arith.muli %scan3A_239, %mul3A_279 : i32
        %add3A_281 = arith.constant 2 : i32
        %add3A_282 = arith.addi %mul3A_280, %add3A_281 : i32
        %get3A_283 = arith.constant 1 : i32
        %get3A_284 = arith.index_cast %get3A_283 : i32 to index
        %get3A_285 = arith.index_cast %add3A_282 : i32 to index
        %get3A_286 = arith.constant 0 : index
        %get3A_287 = tpu.vector_load %arg7[%get3A_284, %get3A_285, %get3A_286] {strides = array<i32>} : memref<2x128x16xf32, #tpu.memory_space<vmem>>, vector<16xf32>,
        %bitcast3A_288 = vector.bitcast %get3A_287 : vector<16xf32> to vector<16xi32>
        %shift_right_arithmetic3A_289 = arith.constant 11 : i32
        %shift_right_arithmetic3A_290 = vector.broadcast %shift_right_arithmetic3A_289 : i32 to vector<16xi32>
        %shift_right_arithmetic3A_291 = arith.shrsi %bitcast3A_288, %shift_right_arithmetic3A_290 : vector<16xi32>
        %and3A_292 = arith.constant 4095 : i32
        %and3A_293 = vector.broadcast %and3A_292 : i32 to vector<16xi32>
        %and3A_294 = arith.andi %shift_right_arithmetic3A_291, %and3A_293 : vector<16xi32>
        %gather3A_295 = tpu.vector_load_idx %arg9[%and3A_294] : memref<4096xf32, #tpu.memory_space<vmem>>[vector<16xi32>], vector<16xf32>,
        %convert_element_type3A_296 = arith.sitofp %bitcast3A_288 : vector<16xi32> to vector<16xf32>
        %mul3A_297 = arith.constant 8.26295832E-8 : f32
        %mul3A_298 = vector.broadcast %mul3A_297 : f32 to vector<16xf32>
        %mul3A_299 = arith.mulf %convert_element_type3A_296, %mul3A_298 : vector<16xf32>
        %add3A_300 = arith.addf %mul3A_299, %gather3A_295 : vector<16xf32>
        %mul3A_301 = arith.constant 16 : i32
        %mul3A_302 = arith.muli %scan3A_239, %mul3A_301 : i32
        %add3A_303 = arith.constant 3 : i32
        %add3A_304 = arith.addi %mul3A_302, %add3A_303 : i32
        %get3A_305 = arith.constant 1 : i32
        %get3A_306 = arith.index_cast %get3A_305 : i32 to index
        %get3A_307 = arith.index_cast %add3A_304 : i32 to index
        %get3A_308 = arith.constant 0 : index
        %get3A_309 = tpu.vector_load %arg7[%get3A_306, %get3A_307, %get3A_308] {strides = array<i32>} : memref<2x128x16xf32, #tpu.memory_space<vmem>>, vector<16xf32>,
        %bitcast3A_310 = vector.bitcast %get3A_309 : vector<16xf32> to vector<16xi32>
        %shift_right_arithmetic3A_311 = arith.constant 11 : i32
        %shift_right_arithmetic3A_312 = vector.broadcast %shift_right_arithmetic3A_311 : i32 to vector<16xi32>
        %shift_right_arithmetic3A_313 = arith.shrsi %bitcast3A_310, %shift_right_arithmetic3A_312 : vector<16xi32>
        %and3A_314 = arith.constant 4095 : i32
        %and3A_315 = vector.broadcast %and3A_314 : i32 to vector<16xi32>
        %and3A_316 = arith.andi %shift_right_arithmetic3A_313, %and3A_315 : vector<16xi32>
        %gather3A_317 = tpu.vector_load_idx %arg9[%and3A_316] : memref<4096xf32, #tpu.memory_space<vmem>>[vector<16xi32>], vector<16xf32>,
        %convert_element_type3A_318 = arith.sitofp %bitcast3A_310 : vector<16xi32> to vector<16xf32>
        %mul3A_319 = arith.constant 8.26295832E-8 : f32
        %mul3A_320 = vector.broadcast %mul3A_319 : f32 to vector<16xf32>
        %mul3A_321 = arith.mulf %convert_element_type3A_318, %mul3A_320 : vector<16xf32>
        %add3A_322 = arith.addf %mul3A_321, %gather3A_317 : vector<16xf32>
        %mul3A_323 = arith.constant 16 : i32
        %mul3A_324 = arith.muli %scan3A_239, %mul3A_323 : i32
        %add3A_325 = arith.constant 4 : i32
        %add3A_326 = arith.addi %mul3A_324, %add3A_325 : i32
        %get3A_327 = arith.constant 1 : i32
        %get3A_328 = arith.index_cast %get3A_327 : i32 to index
        %get3A_329 = arith.index_cast %add3A_326 : i32 to index
        %get3A_330 = arith.constant 0 : index
        %get3A_331 = tpu.vector_load %arg7[%get3A_328, %get3A_329, %get3A_330] {strides = array<i32>} : memref<2x128x16xf32, #tpu.memory_space<vmem>>, vector<16xf32>,
        %bitcast3A_332 = vector.bitcast %get3A_331 : vector<16xf32> to vector<16xi32>
        %shift_right_arithmetic3A_333 = arith.constant 11 : i32
        %shift_right_arithmetic3A_334 = vector.broadcast %shift_right_arithmetic3A_333 : i32 to vector<16xi32>
        %shift_right_arithmetic3A_335 = arith.shrsi %bitcast3A_332, %shift_right_arithmetic3A_334 : vector<16xi32>
        %and3A_336 = arith.constant 4095 : i32
        %and3A_337 = vector.broadcast %and3A_336 : i32 to vector<16xi32>
        %and3A_338 = arith.andi %shift_right_arithmetic3A_335, %and3A_337 : vector<16xi32>
        %gather3A_339 = tpu.vector_load_idx %arg9[%and3A_338] : memref<4096xf32, #tpu.memory_space<vmem>>[vector<16xi32>], vector<16xf32>,
        %convert_element_type3A_340 = arith.sitofp %bitcast3A_332 : vector<16xi32> to vector<16xf32>
        %mul3A_341 = arith.constant 8.26295832E-8 : f32
        %mul3A_342 = vector.broadcast %mul3A_341 : f32 to vector<16xf32>
        %mul3A_343 = arith.mulf %convert_element_type3A_340, %mul3A_342 : vector<16xf32>
        %add3A_344 = arith.addf %mul3A_343, %gather3A_339 : vector<16xf32>
        %mul3A_345 = arith.constant 16 : i32
        %mul3A_346 = arith.muli %scan3A_239, %mul3A_345 : i32
        %add3A_347 = arith.constant 5 : i32
        %add3A_348 = arith.addi %mul3A_346, %add3A_347 : i32
        %get3A_349 = arith.constant 1 : i32
        %get3A_350 = arith.index_cast %get3A_349 : i32 to index
        %get3A_351 = arith.index_cast %add3A_348 : i32 to index
        %get3A_352 = arith.constant 0 : index
        %get3A_353 = tpu.vector_load %arg7[%get3A_350, %get3A_351, %get3A_352] {strides = array<i32>} : memref<2x128x16xf32, #tpu.memory_space<vmem>>, vector<16xf32>,
        %bitcast3A_354 = vector.bitcast %get3A_353 : vector<16xf32> to vector<16xi32>
        %shift_right_arithmetic3A_355 = arith.constant 11 : i32
        %shift_right_arithmetic3A_356 = vector.broadcast %shift_right_arithmetic3A_355 : i32 to vector<16xi32>
        %shift_right_arithmetic3A_357 = arith.shrsi %bitcast3A_354, %shift_right_arithmetic3A_356 : vector<16xi32>
        %and3A_358 = arith.constant 4095 : i32
        %and3A_359 = vector.broadcast %and3A_358 : i32 to vector<16xi32>
        %and3A_360 = arith.andi %shift_right_arithmetic3A_357, %and3A_359 : vector<16xi32>
        %gather3A_361 = tpu.vector_load_idx %arg9[%and3A_360] : memref<4096xf32, #tpu.memory_space<vmem>>[vector<16xi32>], vector<16xf32>,
        %convert_element_type3A_362 = arith.sitofp %bitcast3A_354 : vector<16xi32> to vector<16xf32>
        %mul3A_363 = arith.constant 8.26295832E-8 : f32
        %mul3A_364 = vector.broadcast %mul3A_363 : f32 to vector<16xf32>
        %mul3A_365 = arith.mulf %convert_element_type3A_362, %mul3A_364 : vector<16xf32>
        %add3A_366 = arith.addf %mul3A_365, %gather3A_361 : vector<16xf32>
        %mul3A_367 = arith.constant 16 : i32
        %mul3A_368 = arith.muli %scan3A_239, %mul3A_367 : i32
        %add3A_369 = arith.constant 6 : i32
        %add3A_370 = arith.addi %mul3A_368, %add3A_369 : i32
        %get3A_371 = arith.constant 1 : i32
        %get3A_372 = arith.index_cast %get3A_371 : i32 to index
        %get3A_373 = arith.index_cast %add3A_370 : i32 to index
        %get3A_374 = arith.constant 0 : index
        %get3A_375 = tpu.vector_load %arg7[%get3A_372, %get3A_373, %get3A_374] {strides = array<i32>} : memref<2x128x16xf32, #tpu.memory_space<vmem>>, vector<16xf32>,
        %bitcast3A_376 = vector.bitcast %get3A_375 : vector<16xf32> to vector<16xi32>
        %shift_right_arithmetic3A_377 = arith.constant 11 : i32
        %shift_right_arithmetic3A_378 = vector.broadcast %shift_right_arithmetic3A_377 : i32 to vector<16xi32>
        %shift_right_arithmetic3A_379 = arith.shrsi %bitcast3A_376, %shift_right_arithmetic3A_378 : vector<16xi32>
        %and3A_380 = arith.constant 4095 : i32
        %and3A_381 = vector.broadcast %and3A_380 : i32 to vector<16xi32>
        %and3A_382 = arith.andi %shift_right_arithmetic3A_379, %and3A_381 : vector<16xi32>
        %gather3A_383 = tpu.vector_load_idx %arg9[%and3A_382] : memref<4096xf32, #tpu.memory_space<vmem>>[vector<16xi32>], vector<16xf32>,
        %convert_element_type3A_384 = arith.sitofp %bitcast3A_376 : vector<16xi32> to vector<16xf32>
        %mul3A_385 = arith.constant 8.26295832E-8 : f32
        %mul3A_386 = vector.broadcast %mul3A_385 : f32 to vector<16xf32>
        %mul3A_387 = arith.mulf %convert_element_type3A_384, %mul3A_386 : vector<16xf32>
        %add3A_388 = arith.addf %mul3A_387, %gather3A_383 : vector<16xf32>
        %mul3A_389 = arith.constant 16 : i32
        %mul3A_390 = arith.muli %scan3A_239, %mul3A_389 : i32
        %add3A_391 = arith.constant 7 : i32
        %add3A_392 = arith.addi %mul3A_390, %add3A_391 : i32
        %get3A_393 = arith.constant 1 : i32
        %get3A_394 = arith.index_cast %get3A_393 : i32 to index
        %get3A_395 = arith.index_cast %add3A_392 : i32 to index
        %get3A_396 = arith.constant 0 : index
        %get3A_397 = tpu.vector_load %arg7[%get3A_394, %get3A_395, %get3A_396] {strides = array<i32>} : memref<2x128x16xf32, #tpu.memory_space<vmem>>, vector<16xf32>,
        %bitcast3A_398 = vector.bitcast %get3A_397 : vector<16xf32> to vector<16xi32>
        %shift_right_arithmetic3A_399 = arith.constant 11 : i32
        %shift_right_arithmetic3A_400 = vector.broadcast %shift_right_arithmetic3A_399 : i32 to vector<16xi32>
        %shift_right_arithmetic3A_401 = arith.shrsi %bitcast3A_398, %shift_right_arithmetic3A_400 : vector<16xi32>
        %and3A_402 = arith.constant 4095 : i32
        %and3A_403 = vector.broadcast %and3A_402 : i32 to vector<16xi32>
        %and3A_404 = arith.andi %shift_right_arithmetic3A_401, %and3A_403 : vector<16xi32>
        %gather3A_405 = tpu.vector_load_idx %arg9[%and3A_404] : memref<4096xf32, #tpu.memory_space<vmem>>[vector<16xi32>], vector<16xf32>,
        %convert_element_type3A_406 = arith.sitofp %bitcast3A_398 : vector<16xi32> to vector<16xf32>
        %mul3A_407 = arith.constant 8.26295832E-8 : f32
        %mul3A_408 = vector.broadcast %mul3A_407 : f32 to vector<16xf32>
        %mul3A_409 = arith.mulf %convert_element_type3A_406, %mul3A_408 : vector<16xf32>
        %add3A_410 = arith.addf %mul3A_409, %gather3A_405 : vector<16xf32>
        %mul3A_411 = arith.constant 16 : i32
        %mul3A_412 = arith.muli %scan3A_239, %mul3A_411 : i32
        %add3A_413 = arith.constant 8 : i32
        %add3A_414 = arith.addi %mul3A_412, %add3A_413 : i32
        %get3A_415 = arith.constant 1 : i32
        %get3A_416 = arith.index_cast %get3A_415 : i32 to index
        %get3A_417 = arith.index_cast %add3A_414 : i32 to index
        %get3A_418 = arith.constant 0 : index
        %get3A_419 = tpu.vector_load %arg7[%get3A_416, %get3A_417, %get3A_418] {strides = array<i32>} : memref<2x128x16xf32, #tpu.memory_space<vmem>>, vector<16xf32>,
        %bitcast3A_420 = vector.bitcast %get3A_419 : vector<16xf32> to vector<16xi32>
        %shift_right_arithmetic3A_421 = arith.constant 11 : i32
        %shift_right_arithmetic3A_422 = vector.broadcast %shift_right_arithmetic3A_421 : i32 to vector<16xi32>
        %shift_right_arithmetic3A_423 = arith.shrsi %bitcast3A_420, %shift_right_arithmetic3A_422 : vector<16xi32>
        %and3A_424 = arith.constant 4095 : i32
        %and3A_425 = vector.broadcast %and3A_424 : i32 to vector<16xi32>
        %and3A_426 = arith.andi %shift_right_arithmetic3A_423, %and3A_425 : vector<16xi32>
        %gather3A_427 = tpu.vector_load_idx %arg9[%and3A_426] : memref<4096xf32, #tpu.memory_space<vmem>>[vector<16xi32>], vector<16xf32>,
        %convert_element_type3A_428 = arith.sitofp %bitcast3A_420 : vector<16xi32> to vector<16xf32>
        %mul3A_429 = arith.constant 8.26295832E-8 : f32
        %mul3A_430 = vector.broadcast %mul3A_429 : f32 to vector<16xf32>
        %mul3A_431 = arith.mulf %convert_element_type3A_428, %mul3A_430 : vector<16xf32>
        %add3A_432 = arith.addf %mul3A_431, %gather3A_427 : vector<16xf32>
        %mul3A_433 = arith.constant 16 : i32
        %mul3A_434 = arith.muli %scan3A_239, %mul3A_433 : i32
        %add3A_435 = arith.constant 9 : i32
        %add3A_436 = arith.addi %mul3A_434, %add3A_435 : i32
        %get3A_437 = arith.constant 1 : i32
        %get3A_438 = arith.index_cast %get3A_437 : i32 to index
        %get3A_439 = arith.index_cast %add3A_436 : i32 to index
        %get3A_440 = arith.constant 0 : index
        %get3A_441 = tpu.vector_load %arg7[%get3A_438, %get3A_439, %get3A_440] {strides = array<i32>} : memref<2x128x16xf32, #tpu.memory_space<vmem>>, vector<16xf32>,
        %bitcast3A_442 = vector.bitcast %get3A_441 : vector<16xf32> to vector<16xi32>
        %shift_right_arithmetic3A_443 = arith.constant 11 : i32
        %shift_right_arithmetic3A_444 = vector.broadcast %shift_right_arithmetic3A_443 : i32 to vector<16xi32>
        %shift_right_arithmetic3A_445 = arith.shrsi %bitcast3A_442, %shift_right_arithmetic3A_444 : vector<16xi32>
        %and3A_446 = arith.constant 4095 : i32
        %and3A_447 = vector.broadcast %and3A_446 : i32 to vector<16xi32>
        %and3A_448 = arith.andi %shift_right_arithmetic3A_445, %and3A_447 : vector<16xi32>
        %gather3A_449 = tpu.vector_load_idx %arg9[%and3A_448] : memref<4096xf32, #tpu.memory_space<vmem>>[vector<16xi32>], vector<16xf32>,
        %convert_element_type3A_450 = arith.sitofp %bitcast3A_442 : vector<16xi32> to vector<16xf32>
        %mul3A_451 = arith.constant 8.26295832E-8 : f32
        %mul3A_452 = vector.broadcast %mul3A_451 : f32 to vector<16xf32>
        %mul3A_453 = arith.mulf %convert_element_type3A_450, %mul3A_452 : vector<16xf32>
        %add3A_454 = arith.addf %mul3A_453, %gather3A_449 : vector<16xf32>
        %mul3A_455 = arith.constant 16 : i32
        %mul3A_456 = arith.muli %scan3A_239, %mul3A_455 : i32
        %add3A_457 = arith.constant 10 : i32
        %add3A_458 = arith.addi %mul3A_456, %add3A_457 : i32
        %get3A_459 = arith.constant 1 : i32
        %get3A_460 = arith.index_cast %get3A_459 : i32 to index
        %get3A_461 = arith.index_cast %add3A_458 : i32 to index
        %get3A_462 = arith.constant 0 : index
        %get3A_463 = tpu.vector_load %arg7[%get3A_460, %get3A_461, %get3A_462] {strides = array<i32>} : memref<2x128x16xf32, #tpu.memory_space<vmem>>, vector<16xf32>,
        %bitcast3A_464 = vector.bitcast %get3A_463 : vector<16xf32> to vector<16xi32>
        %shift_right_arithmetic3A_465 = arith.constant 11 : i32
        %shift_right_arithmetic3A_466 = vector.broadcast %shift_right_arithmetic3A_465 : i32 to vector<16xi32>
        %shift_right_arithmetic3A_467 = arith.shrsi %bitcast3A_464, %shift_right_arithmetic3A_466 : vector<16xi32>
        %and3A_468 = arith.constant 4095 : i32
        %and3A_469 = vector.broadcast %and3A_468 : i32 to vector<16xi32>
        %and3A_470 = arith.andi %shift_right_arithmetic3A_467, %and3A_469 : vector<16xi32>
        %gather3A_471 = tpu.vector_load_idx %arg9[%and3A_470] : memref<4096xf32, #tpu.memory_space<vmem>>[vector<16xi32>], vector<16xf32>,
        %convert_element_type3A_472 = arith.sitofp %bitcast3A_464 : vector<16xi32> to vector<16xf32>
        %mul3A_473 = arith.constant 8.26295832E-8 : f32
        %mul3A_474 = vector.broadcast %mul3A_473 : f32 to vector<16xf32>
        %mul3A_475 = arith.mulf %convert_element_type3A_472, %mul3A_474 : vector<16xf32>
        %add3A_476 = arith.addf %mul3A_475, %gather3A_471 : vector<16xf32>
        %mul3A_477 = arith.constant 16 : i32
        %mul3A_478 = arith.muli %scan3A_239, %mul3A_477 : i32
        %add3A_479 = arith.constant 11 : i32
        %add3A_480 = arith.addi %mul3A_478, %add3A_479 : i32
        %get3A_481 = arith.constant 1 : i32
        %get3A_482 = arith.index_cast %get3A_481 : i32 to index
        %get3A_483 = arith.index_cast %add3A_480 : i32 to index
        %get3A_484 = arith.constant 0 : index
        %get3A_485 = tpu.vector_load %arg7[%get3A_482, %get3A_483, %get3A_484] {strides = array<i32>} : memref<2x128x16xf32, #tpu.memory_space<vmem>>, vector<16xf32>,
        %bitcast3A_486 = vector.bitcast %get3A_485 : vector<16xf32> to vector<16xi32>
        %shift_right_arithmetic3A_487 = arith.constant 11 : i32
        %shift_right_arithmetic3A_488 = vector.broadcast %shift_right_arithmetic3A_487 : i32 to vector<16xi32>
        %shift_right_arithmetic3A_489 = arith.shrsi %bitcast3A_486, %shift_right_arithmetic3A_488 : vector<16xi32>
        %and3A_490 = arith.constant 4095 : i32
        %and3A_491 = vector.broadcast %and3A_490 : i32 to vector<16xi32>
        %and3A_492 = arith.andi %shift_right_arithmetic3A_489, %and3A_491 : vector<16xi32>
        %gather3A_493 = tpu.vector_load_idx %arg9[%and3A_492] : memref<4096xf32, #tpu.memory_space<vmem>>[vector<16xi32>], vector<16xf32>,
        %convert_element_type3A_494 = arith.sitofp %bitcast3A_486 : vector<16xi32> to vector<16xf32>
        %mul3A_495 = arith.constant 8.26295832E-8 : f32
        %mul3A_496 = vector.broadcast %mul3A_495 : f32 to vector<16xf32>
        %mul3A_497 = arith.mulf %convert_element_type3A_494, %mul3A_496 : vector<16xf32>
        %add3A_498 = arith.addf %mul3A_497, %gather3A_493 : vector<16xf32>
        %mul3A_499 = arith.constant 16 : i32
        %mul3A_500 = arith.muli %scan3A_239, %mul3A_499 : i32
        %add3A_501 = arith.constant 12 : i32
        %add3A_502 = arith.addi %mul3A_500, %add3A_501 : i32
        %get3A_503 = arith.constant 1 : i32
        %get3A_504 = arith.index_cast %get3A_503 : i32 to index
        %get3A_505 = arith.index_cast %add3A_502 : i32 to index
        %get3A_506 = arith.constant 0 : index
        %get3A_507 = tpu.vector_load %arg7[%get3A_504, %get3A_505, %get3A_506] {strides = array<i32>} : memref<2x128x16xf32, #tpu.memory_space<vmem>>, vector<16xf32>,
        %bitcast3A_508 = vector.bitcast %get3A_507 : vector<16xf32> to vector<16xi32>
        %shift_right_arithmetic3A_509 = arith.constant 11 : i32
        %shift_right_arithmetic3A_510 = vector.broadcast %shift_right_arithmetic3A_509 : i32 to vector<16xi32>
        %shift_right_arithmetic3A_511 = arith.shrsi %bitcast3A_508, %shift_right_arithmetic3A_510 : vector<16xi32>
        %and3A_512 = arith.constant 4095 : i32
        %and3A_513 = vector.broadcast %and3A_512 : i32 to vector<16xi32>
        %and3A_514 = arith.andi %shift_right_arithmetic3A_511, %and3A_513 : vector<16xi32>
        %gather3A_515 = tpu.vector_load_idx %arg9[%and3A_514] : memref<4096xf32, #tpu.memory_space<vmem>>[vector<16xi32>], vector<16xf32>,
        %convert_element_type3A_516 = arith.sitofp %bitcast3A_508 : vector<16xi32> to vector<16xf32>
        %mul3A_517 = arith.constant 8.26295832E-8 : f32
        %mul3A_518 = vector.broadcast %mul3A_517 : f32 to vector<16xf32>
        %mul3A_519 = arith.mulf %convert_element_type3A_516, %mul3A_518 : vector<16xf32>
        %add3A_520 = arith.addf %mul3A_519, %gather3A_515 : vector<16xf32>
        %mul3A_521 = arith.constant 16 : i32
        %mul3A_522 = arith.muli %scan3A_239, %mul3A_521 : i32
        %add3A_523 = arith.constant 13 : i32
        %add3A_524 = arith.addi %mul3A_522, %add3A_523 : i32
        %get3A_525 = arith.constant 1 : i32
        %get3A_526 = arith.index_cast %get3A_525 : i32 to index
        %get3A_527 = arith.index_cast %add3A_524 : i32 to index
        %get3A_528 = arith.constant 0 : index
        %get3A_529 = tpu.vector_load %arg7[%get3A_526, %get3A_527, %get3A_528] {strides = array<i32>} : memref<2x128x16xf32, #tpu.memory_space<vmem>>, vector<16xf32>,
        %bitcast3A_530 = vector.bitcast %get3A_529 : vector<16xf32> to vector<16xi32>
        %shift_right_arithmetic3A_531 = arith.constant 11 : i32
        %shift_right_arithmetic3A_532 = vector.broadcast %shift_right_arithmetic3A_531 : i32 to vector<16xi32>
        %shift_right_arithmetic3A_533 = arith.shrsi %bitcast3A_530, %shift_right_arithmetic3A_532 : vector<16xi32>
        %and3A_534 = arith.constant 4095 : i32
        %and3A_535 = vector.broadcast %and3A_534 : i32 to vector<16xi32>
        %and3A_536 = arith.andi %shift_right_arithmetic3A_533, %and3A_535 : vector<16xi32>
        %gather3A_537 = tpu.vector_load_idx %arg9[%and3A_536] : memref<4096xf32, #tpu.memory_space<vmem>>[vector<16xi32>], vector<16xf32>,
        %convert_element_type3A_538 = arith.sitofp %bitcast3A_530 : vector<16xi32> to vector<16xf32>
        %mul3A_539 = arith.constant 8.26295832E-8 : f32
        %mul3A_540 = vector.broadcast %mul3A_539 : f32 to vector<16xf32>
        %mul3A_541 = arith.mulf %convert_element_type3A_538, %mul3A_540 : vector<16xf32>
        %add3A_542 = arith.addf %mul3A_541, %gather3A_537 : vector<16xf32>
        %mul3A_543 = arith.constant 16 : i32
        %mul3A_544 = arith.muli %scan3A_239, %mul3A_543 : i32
        %add3A_545 = arith.constant 14 : i32
        %add3A_546 = arith.addi %mul3A_544, %add3A_545 : i32
        %get3A_547 = arith.constant 1 : i32
        %get3A_548 = arith.index_cast %get3A_547 : i32 to index
        %get3A_549 = arith.index_cast %add3A_546 : i32 to index
        %get3A_550 = arith.constant 0 : index
        %get3A_551 = tpu.vector_load %arg7[%get3A_548, %get3A_549, %get3A_550] {strides = array<i32>} : memref<2x128x16xf32, #tpu.memory_space<vmem>>, vector<16xf32>,
        %bitcast3A_552 = vector.bitcast %get3A_551 : vector<16xf32> to vector<16xi32>
        %shift_right_arithmetic3A_553 = arith.constant 11 : i32
        %shift_right_arithmetic3A_554 = vector.broadcast %shift_right_arithmetic3A_553 : i32 to vector<16xi32>
        %shift_right_arithmetic3A_555 = arith.shrsi %bitcast3A_552, %shift_right_arithmetic3A_554 : vector<16xi32>
        %and3A_556 = arith.constant 4095 : i32
        %and3A_557 = vector.broadcast %and3A_556 : i32 to vector<16xi32>
        %and3A_558 = arith.andi %shift_right_arithmetic3A_555, %and3A_557 : vector<16xi32>
        %gather3A_559 = tpu.vector_load_idx %arg9[%and3A_558] : memref<4096xf32, #tpu.memory_space<vmem>>[vector<16xi32>], vector<16xf32>,
        %convert_element_type3A_560 = arith.sitofp %bitcast3A_552 : vector<16xi32> to vector<16xf32>
        %mul3A_561 = arith.constant 8.26295832E-8 : f32
        %mul3A_562 = vector.broadcast %mul3A_561 : f32 to vector<16xf32>
        %mul3A_563 = arith.mulf %convert_element_type3A_560, %mul3A_562 : vector<16xf32>
        %add3A_564 = arith.addf %mul3A_563, %gather3A_559 : vector<16xf32>
        %mul3A_565 = arith.constant 16 : i32
        %mul3A_566 = arith.muli %scan3A_239, %mul3A_565 : i32
        %add3A_567 = arith.constant 15 : i32
        %add3A_568 = arith.addi %mul3A_566, %add3A_567 : i32
        %get3A_569 = arith.constant 1 : i32
        %get3A_570 = arith.index_cast %get3A_569 : i32 to index
        %get3A_571 = arith.index_cast %add3A_568 : i32 to index
        %get3A_572 = arith.constant 0 : index
        %get3A_573 = tpu.vector_load %arg7[%get3A_570, %get3A_571, %get3A_572] {strides = array<i32>} : memref<2x128x16xf32, #tpu.memory_space<vmem>>, vector<16xf32>,
        %bitcast3A_574 = vector.bitcast %get3A_573 : vector<16xf32> to vector<16xi32>
        %shift_right_arithmetic3A_575 = arith.constant 11 : i32
        %shift_right_arithmetic3A_576 = vector.broadcast %shift_right_arithmetic3A_575 : i32 to vector<16xi32>
        %shift_right_arithmetic3A_577 = arith.shrsi %bitcast3A_574, %shift_right_arithmetic3A_576 : vector<16xi32>
        %and3A_578 = arith.constant 4095 : i32
        %and3A_579 = vector.broadcast %and3A_578 : i32 to vector<16xi32>
        %and3A_580 = arith.andi %shift_right_arithmetic3A_577, %and3A_579 : vector<16xi32>
        %gather3A_581 = tpu.vector_load_idx %arg9[%and3A_580] : memref<4096xf32, #tpu.memory_space<vmem>>[vector<16xi32>], vector<16xf32>,
        %convert_element_type3A_582 = arith.sitofp %bitcast3A_574 : vector<16xi32> to vector<16xf32>
        %mul3A_583 = arith.constant 8.26295832E-8 : f32
        %mul3A_584 = vector.broadcast %mul3A_583 : f32 to vector<16xf32>
        %mul3A_585 = arith.mulf %convert_element_type3A_582, %mul3A_584 : vector<16xf32>
        %add3A_586 = arith.addf %mul3A_585, %gather3A_581 : vector<16xf32>
        %mul3A_587 = arith.constant 16 : i32
        %mul3A_588 = arith.muli %scan3A_239, %mul3A_587 : i32
        %add3A_589 = arith.constant 0 : i32
        %add3A_590 = arith.addi %mul3A_588, %add3A_589 : i32
        %broadcast_in_dim3A = vector.broadcast %add3A_590 : i32 to vector<16xi32>
        %scatter3A = arith.constant 1 : i32
        %scatter3A_591 = arith.constant 0 : i32
        %scatter3A_592 = arith.constant 0 : i32
        %scatter3A_593 = tpu.memref_slice %arg8[%scatter3A, %scatter3A_591, %scatter3A_592] : memref<2x16x128xf32, #tpu.memory_space<vmem>> -> memref<1x16x128xf32, #tpu.memory_space<vmem>>
        %scatter3A_594 = tpu.memref_squeeze %scatter3A_593 : memref<1x16x128xf32, #tpu.memory_space<vmem>> -> memref<16x128xf32, #tpu.memory_space<vmem>>
        tpu.vector_store_idx %scatter3A_594[%iota3A, %broadcast_in_dim3A], %add3A_256 : memref<16x128xf32, #tpu.memory_space<vmem>>[vector<16xi32>, vector<16xi32>], vector<16xf32>,
        %mul3A_595 = arith.constant 16 : i32
        %mul3A_596 = arith.muli %scan3A_239, %mul3A_595 : i32
        %add3A_597 = arith.constant 1 : i32
        %add3A_598 = arith.addi %mul3A_596, %add3A_597 : i32
        %broadcast_in_dim3A_599 = vector.broadcast %add3A_598 : i32 to vector<16xi32>
        %scatter3A_600 = arith.constant 1 : i32
        %scatter3A_601 = arith.constant 0 : i32
        %scatter3A_602 = arith.constant 0 : i32
        %scatter3A_603 = tpu.memref_slice %arg8[%scatter3A_600, %scatter3A_601, %scatter3A_602] : memref<2x16x128xf32, #tpu.memory_space<vmem>> -> memref<1x16x128xf32, #tpu.memory_space<vmem>>
        %scatter3A_604 = tpu.memref_squeeze %scatter3A_603 : memref<1x16x128xf32, #tpu.memory_space<vmem>> -> memref<16x128xf32, #tpu.memory_space<vmem>>
        tpu.vector_store_idx %scatter3A_604[%iota3A, %broadcast_in_dim3A_599], %add3A_278 : memref<16x128xf32, #tpu.memory_space<vmem>>[vector<16xi32>, vector<16xi32>], vector<16xf32>,
        %mul3A_605 = arith.constant 16 : i32
        %mul3A_606 = arith.muli %scan3A_239, %mul3A_605 : i32
        %add3A_607 = arith.constant 2 : i32
        %add3A_608 = arith.addi %mul3A_606, %add3A_607 : i32
        %broadcast_in_dim3A_609 = vector.broadcast %add3A_608 : i32 to vector<16xi32>
        %scatter3A_610 = arith.constant 1 : i32
        %scatter3A_611 = arith.constant 0 : i32
        %scatter3A_612 = arith.constant 0 : i32
        %scatter3A_613 = tpu.memref_slice %arg8[%scatter3A_610, %scatter3A_611, %scatter3A_612] : memref<2x16x128xf32, #tpu.memory_space<vmem>> -> memref<1x16x128xf32, #tpu.memory_space<vmem>>
        %scatter3A_614 = tpu.memref_squeeze %scatter3A_613 : memref<1x16x128xf32, #tpu.memory_space<vmem>> -> memref<16x128xf32, #tpu.memory_space<vmem>>
        tpu.vector_store_idx %scatter3A_614[%iota3A, %broadcast_in_dim3A_609], %add3A_300 : memref<16x128xf32, #tpu.memory_space<vmem>>[vector<16xi32>, vector<16xi32>], vector<16xf32>,
        %mul3A_615 = arith.constant 16 : i32
        %mul3A_616 = arith.muli %scan3A_239, %mul3A_615 : i32
        %add3A_617 = arith.constant 3 : i32
        %add3A_618 = arith.addi %mul3A_616, %add3A_617 : i32
        %broadcast_in_dim3A_619 = vector.broadcast %add3A_618 : i32 to vector<16xi32>
        %scatter3A_620 = arith.constant 1 : i32
        %scatter3A_621 = arith.constant 0 : i32
        %scatter3A_622 = arith.constant 0 : i32
        %scatter3A_623 = tpu.memref_slice %arg8[%scatter3A_620, %scatter3A_621, %scatter3A_622] : memref<2x16x128xf32, #tpu.memory_space<vmem>> -> memref<1x16x128xf32, #tpu.memory_space<vmem>>
        %scatter3A_624 = tpu.memref_squeeze %scatter3A_623 : memref<1x16x128xf32, #tpu.memory_space<vmem>> -> memref<16x128xf32, #tpu.memory_space<vmem>>
        tpu.vector_store_idx %scatter3A_624[%iota3A, %broadcast_in_dim3A_619], %add3A_322 : memref<16x128xf32, #tpu.memory_space<vmem>>[vector<16xi32>, vector<16xi32>], vector<16xf32>,
        %mul3A_625 = arith.constant 16 : i32
        %mul3A_626 = arith.muli %scan3A_239, %mul3A_625 : i32
        %add3A_627 = arith.constant 4 : i32
        %add3A_628 = arith.addi %mul3A_626, %add3A_627 : i32
        %broadcast_in_dim3A_629 = vector.broadcast %add3A_628 : i32 to vector<16xi32>
        %scatter3A_630 = arith.constant 1 : i32
        %scatter3A_631 = arith.constant 0 : i32
        %scatter3A_632 = arith.constant 0 : i32
        %scatter3A_633 = tpu.memref_slice %arg8[%scatter3A_630, %scatter3A_631, %scatter3A_632] : memref<2x16x128xf32, #tpu.memory_space<vmem>> -> memref<1x16x128xf32, #tpu.memory_space<vmem>>
        %scatter3A_634 = tpu.memref_squeeze %scatter3A_633 : memref<1x16x128xf32, #tpu.memory_space<vmem>> -> memref<16x128xf32, #tpu.memory_space<vmem>>
        tpu.vector_store_idx %scatter3A_634[%iota3A, %broadcast_in_dim3A_629], %add3A_344 : memref<16x128xf32, #tpu.memory_space<vmem>>[vector<16xi32>, vector<16xi32>], vector<16xf32>,
        %mul3A_635 = arith.constant 16 : i32
        %mul3A_636 = arith.muli %scan3A_239, %mul3A_635 : i32
        %add3A_637 = arith.constant 5 : i32
        %add3A_638 = arith.addi %mul3A_636, %add3A_637 : i32
        %broadcast_in_dim3A_639 = vector.broadcast %add3A_638 : i32 to vector<16xi32>
        %scatter3A_640 = arith.constant 1 : i32
        %scatter3A_641 = arith.constant 0 : i32
        %scatter3A_642 = arith.constant 0 : i32
        %scatter3A_643 = tpu.memref_slice %arg8[%scatter3A_640, %scatter3A_641, %scatter3A_642] : memref<2x16x128xf32, #tpu.memory_space<vmem>> -> memref<1x16x128xf32, #tpu.memory_space<vmem>>
        %scatter3A_644 = tpu.memref_squeeze %scatter3A_643 : memref<1x16x128xf32, #tpu.memory_space<vmem>> -> memref<16x128xf32, #tpu.memory_space<vmem>>
        tpu.vector_store_idx %scatter3A_644[%iota3A, %broadcast_in_dim3A_639], %add3A_366 : memref<16x128xf32, #tpu.memory_space<vmem>>[vector<16xi32>, vector<16xi32>], vector<16xf32>,
        %mul3A_645 = arith.constant 16 : i32
        %mul3A_646 = arith.muli %scan3A_239, %mul3A_645 : i32
        %add3A_647 = arith.constant 6 : i32
        %add3A_648 = arith.addi %mul3A_646, %add3A_647 : i32
        %broadcast_in_dim3A_649 = vector.broadcast %add3A_648 : i32 to vector<16xi32>
        %scatter3A_650 = arith.constant 1 : i32
        %scatter3A_651 = arith.constant 0 : i32
        %scatter3A_652 = arith.constant 0 : i32
        %scatter3A_653 = tpu.memref_slice %arg8[%scatter3A_650, %scatter3A_651, %scatter3A_652] : memref<2x16x128xf32, #tpu.memory_space<vmem>> -> memref<1x16x128xf32, #tpu.memory_space<vmem>>
        %scatter3A_654 = tpu.memref_squeeze %scatter3A_653 : memref<1x16x128xf32, #tpu.memory_space<vmem>> -> memref<16x128xf32, #tpu.memory_space<vmem>>
        tpu.vector_store_idx %scatter3A_654[%iota3A, %broadcast_in_dim3A_649], %add3A_388 : memref<16x128xf32, #tpu.memory_space<vmem>>[vector<16xi32>, vector<16xi32>], vector<16xf32>,
        %mul3A_655 = arith.constant 16 : i32
        %mul3A_656 = arith.muli %scan3A_239, %mul3A_655 : i32
        %add3A_657 = arith.constant 7 : i32
        %add3A_658 = arith.addi %mul3A_656, %add3A_657 : i32
        %broadcast_in_dim3A_659 = vector.broadcast %add3A_658 : i32 to vector<16xi32>
        %scatter3A_660 = arith.constant 1 : i32
        %scatter3A_661 = arith.constant 0 : i32
        %scatter3A_662 = arith.constant 0 : i32
        %scatter3A_663 = tpu.memref_slice %arg8[%scatter3A_660, %scatter3A_661, %scatter3A_662] : memref<2x16x128xf32, #tpu.memory_space<vmem>> -> memref<1x16x128xf32, #tpu.memory_space<vmem>>
        %scatter3A_664 = tpu.memref_squeeze %scatter3A_663 : memref<1x16x128xf32, #tpu.memory_space<vmem>> -> memref<16x128xf32, #tpu.memory_space<vmem>>
        tpu.vector_store_idx %scatter3A_664[%iota3A, %broadcast_in_dim3A_659], %add3A_410 : memref<16x128xf32, #tpu.memory_space<vmem>>[vector<16xi32>, vector<16xi32>], vector<16xf32>,
        %mul3A_665 = arith.constant 16 : i32
        %mul3A_666 = arith.muli %scan3A_239, %mul3A_665 : i32
        %add3A_667 = arith.constant 8 : i32
        %add3A_668 = arith.addi %mul3A_666, %add3A_667 : i32
        %broadcast_in_dim3A_669 = vector.broadcast %add3A_668 : i32 to vector<16xi32>
        %scatter3A_670 = arith.constant 1 : i32
        %scatter3A_671 = arith.constant 0 : i32
        %scatter3A_672 = arith.constant 0 : i32
        %scatter3A_673 = tpu.memref_slice %arg8[%scatter3A_670, %scatter3A_671, %scatter3A_672] : memref<2x16x128xf32, #tpu.memory_space<vmem>> -> memref<1x16x128xf32, #tpu.memory_space<vmem>>
        %scatter3A_674 = tpu.memref_squeeze %scatter3A_673 : memref<1x16x128xf32, #tpu.memory_space<vmem>> -> memref<16x128xf32, #tpu.memory_space<vmem>>
        tpu.vector_store_idx %scatter3A_674[%iota3A, %broadcast_in_dim3A_669], %add3A_432 : memref<16x128xf32, #tpu.memory_space<vmem>>[vector<16xi32>, vector<16xi32>], vector<16xf32>,
        %mul3A_675 = arith.constant 16 : i32
        %mul3A_676 = arith.muli %scan3A_239, %mul3A_675 : i32
        %add3A_677 = arith.constant 9 : i32
        %add3A_678 = arith.addi %mul3A_676, %add3A_677 : i32
        %broadcast_in_dim3A_679 = vector.broadcast %add3A_678 : i32 to vector<16xi32>
        %scatter3A_680 = arith.constant 1 : i32
        %scatter3A_681 = arith.constant 0 : i32
        %scatter3A_682 = arith.constant 0 : i32
        %scatter3A_683 = tpu.memref_slice %arg8[%scatter3A_680, %scatter3A_681, %scatter3A_682] : memref<2x16x128xf32, #tpu.memory_space<vmem>> -> memref<1x16x128xf32, #tpu.memory_space<vmem>>
        %scatter3A_684 = tpu.memref_squeeze %scatter3A_683 : memref<1x16x128xf32, #tpu.memory_space<vmem>> -> memref<16x128xf32, #tpu.memory_space<vmem>>
        tpu.vector_store_idx %scatter3A_684[%iota3A, %broadcast_in_dim3A_679], %add3A_454 : memref<16x128xf32, #tpu.memory_space<vmem>>[vector<16xi32>, vector<16xi32>], vector<16xf32>,
        %mul3A_685 = arith.constant 16 : i32
        %mul3A_686 = arith.muli %scan3A_239, %mul3A_685 : i32
        %add3A_687 = arith.constant 10 : i32
        %add3A_688 = arith.addi %mul3A_686, %add3A_687 : i32
        %broadcast_in_dim3A_689 = vector.broadcast %add3A_688 : i32 to vector<16xi32>
        %scatter3A_690 = arith.constant 1 : i32
        %scatter3A_691 = arith.constant 0 : i32
        %scatter3A_692 = arith.constant 0 : i32
        %scatter3A_693 = tpu.memref_slice %arg8[%scatter3A_690, %scatter3A_691, %scatter3A_692] : memref<2x16x128xf32, #tpu.memory_space<vmem>> -> memref<1x16x128xf32, #tpu.memory_space<vmem>>
        %scatter3A_694 = tpu.memref_squeeze %scatter3A_693 : memref<1x16x128xf32, #tpu.memory_space<vmem>> -> memref<16x128xf32, #tpu.memory_space<vmem>>
        tpu.vector_store_idx %scatter3A_694[%iota3A, %broadcast_in_dim3A_689], %add3A_476 : memref<16x128xf32, #tpu.memory_space<vmem>>[vector<16xi32>, vector<16xi32>], vector<16xf32>,
        %mul3A_695 = arith.constant 16 : i32
        %mul3A_696 = arith.muli %scan3A_239, %mul3A_695 : i32
        %add3A_697 = arith.constant 11 : i32
        %add3A_698 = arith.addi %mul3A_696, %add3A_697 : i32
        %broadcast_in_dim3A_699 = vector.broadcast %add3A_698 : i32 to vector<16xi32>
        %scatter3A_700 = arith.constant 1 : i32
        %scatter3A_701 = arith.constant 0 : i32
        %scatter3A_702 = arith.constant 0 : i32
        %scatter3A_703 = tpu.memref_slice %arg8[%scatter3A_700, %scatter3A_701, %scatter3A_702] : memref<2x16x128xf32, #tpu.memory_space<vmem>> -> memref<1x16x128xf32, #tpu.memory_space<vmem>>
        %scatter3A_704 = tpu.memref_squeeze %scatter3A_703 : memref<1x16x128xf32, #tpu.memory_space<vmem>> -> memref<16x128xf32, #tpu.memory_space<vmem>>
        tpu.vector_store_idx %scatter3A_704[%iota3A, %broadcast_in_dim3A_699], %add3A_498 : memref<16x128xf32, #tpu.memory_space<vmem>>[vector<16xi32>, vector<16xi32>], vector<16xf32>,
        %mul3A_705 = arith.constant 16 : i32
        %mul3A_706 = arith.muli %scan3A_239, %mul3A_705 : i32
        %add3A_707 = arith.constant 12 : i32
        %add3A_708 = arith.addi %mul3A_706, %add3A_707 : i32
        %broadcast_in_dim3A_709 = vector.broadcast %add3A_708 : i32 to vector<16xi32>
        %scatter3A_710 = arith.constant 1 : i32
        %scatter3A_711 = arith.constant 0 : i32
        %scatter3A_712 = arith.constant 0 : i32
        %scatter3A_713 = tpu.memref_slice %arg8[%scatter3A_710, %scatter3A_711, %scatter3A_712] : memref<2x16x128xf32, #tpu.memory_space<vmem>> -> memref<1x16x128xf32, #tpu.memory_space<vmem>>
        %scatter3A_714 = tpu.memref_squeeze %scatter3A_713 : memref<1x16x128xf32, #tpu.memory_space<vmem>> -> memref<16x128xf32, #tpu.memory_space<vmem>>
        tpu.vector_store_idx %scatter3A_714[%iota3A, %broadcast_in_dim3A_709], %add3A_520 : memref<16x128xf32, #tpu.memory_space<vmem>>[vector<16xi32>, vector<16xi32>], vector<16xf32>,
        %mul3A_715 = arith.constant 16 : i32
        %mul3A_716 = arith.muli %scan3A_239, %mul3A_715 : i32
        %add3A_717 = arith.constant 13 : i32
        %add3A_718 = arith.addi %mul3A_716, %add3A_717 : i32
        %broadcast_in_dim3A_719 = vector.broadcast %add3A_718 : i32 to vector<16xi32>
        %scatter3A_720 = arith.constant 1 : i32
        %scatter3A_721 = arith.constant 0 : i32
        %scatter3A_722 = arith.constant 0 : i32
        %scatter3A_723 = tpu.memref_slice %arg8[%scatter3A_720, %scatter3A_721, %scatter3A_722] : memref<2x16x128xf32, #tpu.memory_space<vmem>> -> memref<1x16x128xf32, #tpu.memory_space<vmem>>
        %scatter3A_724 = tpu.memref_squeeze %scatter3A_723 : memref<1x16x128xf32, #tpu.memory_space<vmem>> -> memref<16x128xf32, #tpu.memory_space<vmem>>
        tpu.vector_store_idx %scatter3A_724[%iota3A, %broadcast_in_dim3A_719], %add3A_542 : memref<16x128xf32, #tpu.memory_space<vmem>>[vector<16xi32>, vector<16xi32>], vector<16xf32>,
        %mul3A_725 = arith.constant 16 : i32
        %mul3A_726 = arith.muli %scan3A_239, %mul3A_725 : i32
        %add3A_727 = arith.constant 14 : i32
        %add3A_728 = arith.addi %mul3A_726, %add3A_727 : i32
        %broadcast_in_dim3A_729 = vector.broadcast %add3A_728 : i32 to vector<16xi32>
        %scatter3A_730 = arith.constant 1 : i32
        %scatter3A_731 = arith.constant 0 : i32
        %scatter3A_732 = arith.constant 0 : i32
        %scatter3A_733 = tpu.memref_slice %arg8[%scatter3A_730, %scatter3A_731, %scatter3A_732] : memref<2x16x128xf32, #tpu.memory_space<vmem>> -> memref<1x16x128xf32, #tpu.memory_space<vmem>>
        %scatter3A_734 = tpu.memref_squeeze %scatter3A_733 : memref<1x16x128xf32, #tpu.memory_space<vmem>> -> memref<16x128xf32, #tpu.memory_space<vmem>>
        tpu.vector_store_idx %scatter3A_734[%iota3A, %broadcast_in_dim3A_729], %add3A_564 : memref<16x128xf32, #tpu.memory_space<vmem>>[vector<16xi32>, vector<16xi32>], vector<16xf32>,
        %mul3A_735 = arith.constant 16 : i32
        %mul3A_736 = arith.muli %scan3A_239, %mul3A_735 : i32
        %add3A_737 = arith.constant 15 : i32
        %add3A_738 = arith.addi %mul3A_736, %add3A_737 : i32
        %broadcast_in_dim3A_739 = vector.broadcast %add3A_738 : i32 to vector<16xi32>
        %scatter3A_740 = arith.constant 1 : i32
        %scatter3A_741 = arith.constant 0 : i32
        %scatter3A_742 = arith.constant 0 : i32
        %scatter3A_743 = tpu.memref_slice %arg8[%scatter3A_740, %scatter3A_741, %scatter3A_742] : memref<2x16x128xf32, #tpu.memory_space<vmem>> -> memref<1x16x128xf32, #tpu.memory_space<vmem>>
        %scatter3A_744 = tpu.memref_squeeze %scatter3A_743 : memref<1x16x128xf32, #tpu.memory_space<vmem>> -> memref<16x128xf32, #tpu.memory_space<vmem>>
        tpu.vector_store_idx %scatter3A_744[%iota3A, %broadcast_in_dim3A_739], %add3A_586 : memref<16x128xf32, #tpu.memory_space<vmem>>[vector<16xi32>, vector<16xi32>], vector<16xf32>,
      }
      %scan3A_202 = arith.constant 8 : i32
      %dma_start3A_203 = arith.constant 1 : i32
      %dma_start3A_204 = arith.constant 0 : i32
      %dma_start3A_205 = arith.constant 0 : i32
      %dma_start3A_206 = arith.constant 0 : i32
      %dma_start3A_207 = tpu.memref_slice %arg8[%dma_start3A_203, %dma_start3A_205, %dma_start3A_206] : memref<2x16x128xf32, #tpu.memory_space<vmem>> -> memref<1x8x128xf32, #tpu.memory_space<vmem>>
      %dma_start3A_208 = tpu.memref_squeeze %dma_start3A_207 : memref<1x8x128xf32, #tpu.memory_space<vmem>> -> memref<8x128xf32, #tpu.memory_space<vmem>>
      %dma_start3A_209 = arith.constant 0 : i32
      %dma_start3A_210 = arith.constant 0 : i32
      %dma_start3A_211 = tpu.memref_slice %arg5[%add3A_174, %dma_start3A_204, %add3A, %dma_start3A_209, %dma_start3A_210] : memref<200x2x32x8x128xf32, #tpu.memory_space<hbm>> -> memref<1x1x1x8x128xf32, #tpu.memory_space<hbm>>
      %dma_start3A_212 = tpu.memref_squeeze %dma_start3A_211 : memref<1x1x1x8x128xf32, #tpu.memory_space<hbm>> -> memref<8x128xf32, #tpu.memory_space<hbm>>
      %dma_start3A_213 = arith.constant 0 : i32
      %dma_start3A_214 = arith.constant 0 : i32
      %dma_start3A_215 = tpu.memref_slice %arg5[%add3A_174, %dma_start3A_204, %add3A, %dma_start3A_213, %dma_start3A_214] : memref<200x2x32x8x128xf32, #tpu.memory_space<hbm>> -> memref<1x1x1x8x128xf32, #tpu.memory_space<hbm>>
      %dma_start3A_216 = tpu.memref_squeeze %dma_start3A_215 : memref<1x1x1x8x128xf32, #tpu.memory_space<hbm>> -> memref<8x128xf32, #tpu.memory_space<hbm>>
      %dma_start3A_217 = arith.constant 0 : i32
      %dma_start3A_218 = arith.constant 0 : i32
      %dma_start3A_219 = tpu.memref_slice %arg8[%dma_start3A_203, %dma_start3A_217, %dma_start3A_218] : memref<2x16x128xf32, #tpu.memory_space<vmem>> -> memref<1x8x128xf32, #tpu.memory_space<vmem>>
      %dma_start3A_220 = tpu.memref_squeeze %dma_start3A_219 : memref<1x8x128xf32, #tpu.memory_space<vmem>> -> memref<8x128xf32, #tpu.memory_space<vmem>>
      tpu.enqueue_dma source(%dma_start3A_220 : memref<8x128xf32, #tpu.memory_space<vmem>>) target(%dma_start3A_216 : memref<8x128xf32, #tpu.memory_space<hbm>>) target_semaphore(%arg13 : memref<!tpu.dma_semaphore, #tpu.memory_space<semaphore_mem>>)
      %dma_start3A_221 = arith.constant 1 : i32
      %dma_start3A_222 = arith.constant 1 : i32
      %dma_start3A_223 = arith.constant 8 : i32
      %dma_start3A_224 = arith.constant 0 : i32
      %dma_start3A_225 = tpu.memref_slice %arg8[%dma_start3A_221, %dma_start3A_223, %dma_start3A_224] : memref<2x16x128xf32, #tpu.memory_space<vmem>> -> memref<1x8x128xf32, #tpu.memory_space<vmem>>
      %dma_start3A_226 = tpu.memref_squeeze %dma_start3A_225 : memref<1x8x128xf32, #tpu.memory_space<vmem>> -> memref<8x128xf32, #tpu.memory_space<vmem>>
      %dma_start3A_227 = arith.constant 0 : i32
      %dma_start3A_228 = arith.constant 0 : i32
      %dma_start3A_229 = tpu.memref_slice %arg5[%add3A_174, %dma_start3A_222, %add3A, %dma_start3A_227, %dma_start3A_228] : memref<200x2x32x8x128xf32, #tpu.memory_space<hbm>> -> memref<1x1x1x8x128xf32, #tpu.memory_space<hbm>>
      %dma_start3A_230 = tpu.memref_squeeze %dma_start3A_229 : memref<1x1x1x8x128xf32, #tpu.memory_space<hbm>> -> memref<8x128xf32, #tpu.memory_space<hbm>>
      %dma_start3A_231 = arith.constant 0 : i32
      %dma_start3A_232 = arith.constant 0 : i32
      %dma_start3A_233 = tpu.memref_slice %arg5[%add3A_174, %dma_start3A_222, %add3A, %dma_start3A_231, %dma_start3A_232] : memref<200x2x32x8x128xf32, #tpu.memory_space<hbm>> -> memref<1x1x1x8x128xf32, #tpu.memory_space<hbm>>
      %dma_start3A_234 = tpu.memref_squeeze %dma_start3A_233 : memref<1x1x1x8x128xf32, #tpu.memory_space<hbm>> -> memref<8x128xf32, #tpu.memory_space<hbm>>
      %dma_start3A_235 = arith.constant 8 : i32
      %dma_start3A_236 = arith.constant 0 : i32
      %dma_start3A_237 = tpu.memref_slice %arg8[%dma_start3A_221, %dma_start3A_235, %dma_start3A_236] : memref<2x16x128xf32, #tpu.memory_space<vmem>> -> memref<1x8x128xf32, #tpu.memory_space<vmem>>
      %dma_start3A_238 = tpu.memref_squeeze %dma_start3A_237 : memref<1x8x128xf32, #tpu.memory_space<vmem>> -> memref<8x128xf32, #tpu.memory_space<vmem>>
      tpu.enqueue_dma source(%dma_start3A_238 : memref<8x128xf32, #tpu.memory_space<vmem>>) target(%dma_start3A_234 : memref<8x128xf32, #tpu.memory_space<hbm>>) target_semaphore(%arg13 : memref<!tpu.dma_semaphore, #tpu.memory_space<semaphore_mem>>)
    }
    %scan3A_18 = arith.constant 100 : i32
    %dma_wait3A = arith.constant 0 : i32
    %dma_wait3A_19 = arith.constant 0 : i32
    %dma_wait3A_20 = arith.constant 0 : i32
    %dma_wait3A_21 = arith.constant 0 : i32
    %dma_wait3A_22 = arith.constant 0 : i32
    %dma_wait3A_23 = arith.constant 0 : i32
    %dma_wait3A_24 = tpu.memref_slice %arg8[%dma_wait3A, %dma_wait3A_22, %dma_wait3A_23] : memref<2x16x128xf32, #tpu.memory_space<vmem>> -> memref<1x8x128xf32, #tpu.memory_space<vmem>>
    %dma_wait3A_25 = tpu.memref_squeeze %dma_wait3A_24 : memref<1x8x128xf32, #tpu.memory_space<vmem>> -> memref<8x128xf32, #tpu.memory_space<vmem>>
    %dma_wait3A_26 = arith.constant 0 : i32
    %dma_wait3A_27 = arith.constant 0 : i32
    %dma_wait3A_28 = tpu.memref_slice %arg5[%dma_wait3A_19, %dma_wait3A_20, %dma_wait3A_21, %dma_wait3A_26, %dma_wait3A_27] : memref<200x2x32x8x128xf32, #tpu.memory_space<hbm>> -> memref<1x1x1x8x128xf32, #tpu.memory_space<hbm>>
    %dma_wait3A_29 = tpu.memref_squeeze %dma_wait3A_28 : memref<1x1x1x8x128xf32, #tpu.memory_space<hbm>> -> memref<8x128xf32, #tpu.memory_space<hbm>>
    %dma_wait3A_30 = arith.constant 0 : i32
    %dma_wait3A_31 = arith.constant 0 : i32
    %dma_wait3A_32 = tpu.memref_slice %arg5[%dma_wait3A_19, %dma_wait3A_20, %dma_wait3A_21, %dma_wait3A_30, %dma_wait3A_31] : memref<200x2x32x8x128xf32, #tpu.memory_space<hbm>> -> memref<1x1x1x8x128xf32, #tpu.memory_space<hbm>>
    %dma_wait3A_33 = tpu.memref_squeeze %dma_wait3A_32 : memref<1x1x1x8x128xf32, #tpu.memory_space<hbm>> -> memref<8x128xf32, #tpu.memory_space<hbm>>
    %dma_wait3A_34 = arith.constant 0 : i32
    %dma_wait3A_35 = arith.constant 0 : i32
    %dma_wait3A_36 = tpu.memref_slice %arg8[%dma_wait3A, %dma_wait3A_34, %dma_wait3A_35] : memref<2x16x128xf32, #tpu.memory_space<vmem>> -> memref<1x8x128xf32, #tpu.memory_space<vmem>>
    %dma_wait3A_37 = tpu.memref_squeeze %dma_wait3A_36 : memref<1x8x128xf32, #tpu.memory_space<vmem>> -> memref<8x128xf32, #tpu.memory_space<vmem>>
    tpu.wait_dma2 semaphore(%arg12 : memref<!tpu.dma_semaphore, #tpu.memory_space<semaphore_mem>>) src(%dma_wait3A_37 : memref<8x128xf32, #tpu.memory_space<vmem>>) dst(%dma_wait3A_33 : memref<8x128xf32, #tpu.memory_space<hbm>>)
    %dma_wait3A_38 = arith.constant 0 : i32
    %dma_wait3A_39 = arith.constant 0 : i32
    %dma_wait3A_40 = arith.constant 0 : i32
    %dma_wait3A_41 = arith.constant 0 : i32
    %dma_wait3A_42 = arith.constant 0 : i32
    %dma_wait3A_43 = arith.constant 0 : i32
    %dma_wait3A_44 = tpu.memref_slice %arg8[%dma_wait3A_38, %dma_wait3A_42, %dma_wait3A_43] : memref<2x16x128xf32, #tpu.memory_space<vmem>> -> memref<1x8x128xf32, #tpu.memory_space<vmem>>
    %dma_wait3A_45 = tpu.memref_squeeze %dma_wait3A_44 : memref<1x8x128xf32, #tpu.memory_space<vmem>> -> memref<8x128xf32, #tpu.memory_space<vmem>>
    %dma_wait3A_46 = arith.constant 0 : i32
    %dma_wait3A_47 = arith.constant 0 : i32
    %dma_wait3A_48 = tpu.memref_slice %arg5[%dma_wait3A_39, %dma_wait3A_40, %dma_wait3A_41, %dma_wait3A_46, %dma_wait3A_47] : memref<200x2x32x8x128xf32, #tpu.memory_space<hbm>> -> memref<1x1x1x8x128xf32, #tpu.memory_space<hbm>>
    %dma_wait3A_49 = tpu.memref_squeeze %dma_wait3A_48 : memref<1x1x1x8x128xf32, #tpu.memory_space<hbm>> -> memref<8x128xf32, #tpu.memory_space<hbm>>
    %dma_wait3A_50 = arith.constant 0 : i32
    %dma_wait3A_51 = arith.constant 0 : i32
    %dma_wait3A_52 = tpu.memref_slice %arg5[%dma_wait3A_39, %dma_wait3A_40, %dma_wait3A_41, %dma_wait3A_50, %dma_wait3A_51] : memref<200x2x32x8x128xf32, #tpu.memory_space<hbm>> -> memref<1x1x1x8x128xf32, #tpu.memory_space<hbm>>
    %dma_wait3A_53 = tpu.memref_squeeze %dma_wait3A_52 : memref<1x1x1x8x128xf32, #tpu.memory_space<hbm>> -> memref<8x128xf32, #tpu.memory_space<hbm>>
    %dma_wait3A_54 = arith.constant 0 : i32
    %dma_wait3A_55 = arith.constant 0 : i32
    %dma_wait3A_56 = tpu.memref_slice %arg8[%dma_wait3A_38, %dma_wait3A_54, %dma_wait3A_55] : memref<2x16x128xf32, #tpu.memory_space<vmem>> -> memref<1x8x128xf32, #tpu.memory_space<vmem>>
    %dma_wait3A_57 = tpu.memref_squeeze %dma_wait3A_56 : memref<1x8x128xf32, #tpu.memory_space<vmem>> -> memref<8x128xf32, #tpu.memory_space<vmem>>
    tpu.wait_dma2 semaphore(%arg12 : memref<!tpu.dma_semaphore, #tpu.memory_space<semaphore_mem>>) src(%dma_wait3A_57 : memref<8x128xf32, #tpu.memory_space<vmem>>) dst(%dma_wait3A_53 : memref<8x128xf32, #tpu.memory_space<hbm>>)
    %dma_wait3A_58 = arith.constant 1 : i32
    %dma_wait3A_59 = arith.constant 0 : i32
    %dma_wait3A_60 = arith.constant 0 : i32
    %dma_wait3A_61 = arith.constant 0 : i32
    %dma_wait3A_62 = arith.constant 0 : i32
    %dma_wait3A_63 = arith.constant 0 : i32
    %dma_wait3A_64 = tpu.memref_slice %arg8[%dma_wait3A_58, %dma_wait3A_62, %dma_wait3A_63] : memref<2x16x128xf32, #tpu.memory_space<vmem>> -> memref<1x8x128xf32, #tpu.memory_space<vmem>>
    %dma_wait3A_65 = tpu.memref_squeeze %dma_wait3A_64 : memref<1x8x128xf32, #tpu.memory_space<vmem>> -> memref<8x128xf32, #tpu.memory_space<vmem>>
    %dma_wait3A_66 = arith.constant 0 : i32
    %dma_wait3A_67 = arith.constant 0 : i32
    %dma_wait3A_68 = tpu.memref_slice %arg5[%dma_wait3A_59, %dma_wait3A_60, %dma_wait3A_61, %dma_wait3A_66, %dma_wait3A_67] : memref<200x2x32x8x128xf32, #tpu.memory_space<hbm>> -> memref<1x1x1x8x128xf32, #tpu.memory_space<hbm>>
    %dma_wait3A_69 = tpu.memref_squeeze %dma_wait3A_68 : memref<1x1x1x8x128xf32, #tpu.memory_space<hbm>> -> memref<8x128xf32, #tpu.memory_space<hbm>>
    %dma_wait3A_70 = arith.constant 0 : i32
    %dma_wait3A_71 = arith.constant 0 : i32
    %dma_wait3A_72 = tpu.memref_slice %arg5[%dma_wait3A_59, %dma_wait3A_60, %dma_wait3A_61, %dma_wait3A_70, %dma_wait3A_71] : memref<200x2x32x8x128xf32, #tpu.memory_space<hbm>> -> memref<1x1x1x8x128xf32, #tpu.memory_space<hbm>>
    %dma_wait3A_73 = tpu.memref_squeeze %dma_wait3A_72 : memref<1x1x1x8x128xf32, #tpu.memory_space<hbm>> -> memref<8x128xf32, #tpu.memory_space<hbm>>
    %dma_wait3A_74 = arith.constant 0 : i32
    %dma_wait3A_75 = arith.constant 0 : i32
    %dma_wait3A_76 = tpu.memref_slice %arg8[%dma_wait3A_58, %dma_wait3A_74, %dma_wait3A_75] : memref<2x16x128xf32, #tpu.memory_space<vmem>> -> memref<1x8x128xf32, #tpu.memory_space<vmem>>
    %dma_wait3A_77 = tpu.memref_squeeze %dma_wait3A_76 : memref<1x8x128xf32, #tpu.memory_space<vmem>> -> memref<8x128xf32, #tpu.memory_space<vmem>>
    tpu.wait_dma2 semaphore(%arg13 : memref<!tpu.dma_semaphore, #tpu.memory_space<semaphore_mem>>) src(%dma_wait3A_77 : memref<8x128xf32, #tpu.memory_space<vmem>>) dst(%dma_wait3A_73 : memref<8x128xf32, #tpu.memory_space<hbm>>)
    %dma_wait3A_78 = arith.constant 1 : i32
    %dma_wait3A_79 = arith.constant 0 : i32
    %dma_wait3A_80 = arith.constant 0 : i32
    %dma_wait3A_81 = arith.constant 0 : i32
    %dma_wait3A_82 = arith.constant 0 : i32
    %dma_wait3A_83 = arith.constant 0 : i32
    %dma_wait3A_84 = tpu.memref_slice %arg8[%dma_wait3A_78, %dma_wait3A_82, %dma_wait3A_83] : memref<2x16x128xf32, #tpu.memory_space<vmem>> -> memref<1x8x128xf32, #tpu.memory_space<vmem>>
    %dma_wait3A_85 = tpu.memref_squeeze %dma_wait3A_84 : memref<1x8x128xf32, #tpu.memory_space<vmem>> -> memref<8x128xf32, #tpu.memory_space<vmem>>
    %dma_wait3A_86 = arith.constant 0 : i32
    %dma_wait3A_87 = arith.constant 0 : i32
    %dma_wait3A_88 = tpu.memref_slice %arg5[%dma_wait3A_79, %dma_wait3A_80, %dma_wait3A_81, %dma_wait3A_86, %dma_wait3A_87] : memref<200x2x32x8x128xf32, #tpu.memory_space<hbm>> -> memref<1x1x1x8x128xf32, #tpu.memory_space<hbm>>
    %dma_wait3A_89 = tpu.memref_squeeze %dma_wait3A_88 : memref<1x1x1x8x128xf32, #tpu.memory_space<hbm>> -> memref<8x128xf32, #tpu.memory_space<hbm>>
    %dma_wait3A_90 = arith.constant 0 : i32
    %dma_wait3A_91 = arith.constant 0 : i32
    %dma_wait3A_92 = tpu.memref_slice %arg5[%dma_wait3A_79, %dma_wait3A_80, %dma_wait3A_81, %dma_wait3A_90, %dma_wait3A_91] : memref<200x2x32x8x128xf32, #tpu.memory_space<hbm>> -> memref<1x1x1x8x128xf32, #tpu.memory_space<hbm>>
    %dma_wait3A_93 = tpu.memref_squeeze %dma_wait3A_92 : memref<1x1x1x8x128xf32, #tpu.memory_space<hbm>> -> memref<8x128xf32, #tpu.memory_space<hbm>>
    %dma_wait3A_94 = arith.constant 0 : i32
    %dma_wait3A_95 = arith.constant 0 : i32
    %dma_wait3A_96 = tpu.memref_slice %arg8[%dma_wait3A_78, %dma_wait3A_94, %dma_wait3A_95] : memref<2x16x128xf32, #tpu.memory_space<vmem>> -> memref<1x8x128xf32, #tpu.memory_space<vmem>>
    %dma_wait3A_97 = tpu.memref_squeeze %dma_wait3A_96 : memref<1x8x128xf32, #tpu.memory_space<vmem>> -> memref<8x128xf32, #tpu.memory_space<vmem>>
    tpu.wait_dma2 semaphore(%arg13 : memref<!tpu.dma_semaphore, #tpu.memory_space<semaphore_mem>>) src(%dma_wait3A_97 : memref<8x128xf32, #tpu.memory_space<vmem>>) dst(%dma_wait3A_93 : memref<8x128xf32, #tpu.memory_space<hbm>>)
    return
  }
}

</mosaic_0001>

<sc_bundles>
// kernel: kernel.3.cloned.1.call-start
scs
__scs_entry_jumppad:
0x0: {  	(pc) =	sbr.rel $0x88, $3  }
0x1: {  	(tag) =	ssettag $0x0;
	lr =	simm.s32 $0x1  }
0x2: {  	[smem:$0x3F9F] =	sst lr;
	_ =	strace $0xD0000000  }
0x3: {  	_ = 	snop  }
0x4: {  	_ = 	snop  }
0x5: {  	_ = 	snop  }
0x6: {  	_ = 	snop  }
0x7: {  	_ = 	snop  }
__scs_overlays_trampoline_lowered:
0x8: {  	[smem:$0x3FAE] =	sst s0  }
0x9: {  	[smem:$0x3FAF] =	sst s1  }
0xa: {  	[smem:$0x3FB0] =	sst s2  }
0xb: {  	[smem:$0x3FB1] =	sst s3  }
0xc: {  	[smem:$0x3FB2] =	sst s4  }
0xd: {  	[smem:$0x3FB3] =	sst s5  }
0xe: {  	[smem:$0x3FB4] =	sst s6  }
0xf: {  	[smem:$0x3FB5] =	sst s7  }
0x10: {  	[smem:$0x3FB6] =	sst s8  }
0x11: {  	[smem:$0x3FB7] =	sst s9;
	s0 =	simm.s32 @!p0 $0x0  }
0x12: {  	s1 =	sld [smem:$0x3F9D];
	s0 =	simm.s32 @p0 $0x1  }
0x13: {  	[smem:$0x3FB8] =	sst s0;
	s0 =	simm.s32 @!p1 $0x0  }
0x14: {  	s2 =	sld [smem:$0x3F9C];
	s0 =	simm.s32 @p1 $0x1  }
0x15: {  	[smem:$0x3FB9] =	sst s0;
	s0 =	simm.s32 @!p2 $0x0  }
0x16: {  	s3 =	sld [smem:$0x3FDB];
	s0 =	simm.s32 @p2 $0x1  }
0x17: {  	s4 =	simm.s32 $0x1BF5;
	[smem:$0x3FBB] =	sst s0  }
0x18: {  	s0 =	sld [smem:$0x3F9E];
	_ =	swait.ge [sflag:s4], $0x0  }
0x19: {  	s7 =	sld [smem:$0x3F9F]  }
0x1a: {  	s8 =	sadd.s32 $0xFFFFE003, lr  }
0x1b: {  	s9 =	sadd.s32 $0xFFFFFEF7, lr;
	s5 =	simm.s32 $0xFFFFFFFF;
	p2 =	slt.u32 s8, $0xFFFFF086  }
0x1c: {  	p1 =	slt.u32 s9, $0xF7A;
	s5 =	simm.s32 @!p2 $0x0  }
0x1d: {  	s5 =	simm.s32 @p1 $0x1;
	p0 =	seq.s32 s7, s2  }
0x1e: {  	s7 =	smul.u32 @!p0 $0xF7A, s2;
	p2 =	seq.s32 @!p0 s5, $0x0  }
0x1f: {  	s9 =	smul.u32 $0xF7A, s1;
	s8 =	simm.s32 @!p0 $0x1BF5;
	p2 =	por !p2, p0  }
0x20: {  	[sflag:s8] =	ssyncset.s32 @!p0 $0xFFFFF086;
	s6 =	sadd.s32 @!p0 s3, s7;
	s7 =	simm.s32 @!p0 $0x108  }
0x21: {  	s3 =	sadd.s32 s3, s9;
	s6 =	sadd.s32 @!p0 $0x88, s6;
	s7 =	simm.s32 @p2 $0x1082  }
0x22: {  	[simem:s7], [sflag:s8] =	dma.local @!p0 [hbm:s6], $0xF7A  }
0x23: {  	s9 =	sor.u32 $0xD0000000, s2;
	s6 =	simm.s32 $0x108;
	_ =	swait.ge @!p0 [sflag:s8], $0x0  }
0x24: {  	s3 =	sadd.s32 $0x88, s3;
	s6 =	simm.s32 @!p1 $0x1082;
	[sflag:s4] =	ssyncset.s32 $0xFFFFF086  }
0x25: {  	[simem:s6], [sflag:s4] =	dma.local [hbm:s3], $0xF7A  }
0x26: {  	[smem:$0x3F9F] =	sst s1;
	(tag) =	ssettag s2;
	_ =	strace s9  }
0x27: {  	s1 =	sld [smem:$0x3FAF]  }
0x28: {  	s2 =	sld [smem:$0x3FB0]  }
0x29: {  	s4 =	sld [smem:$0x3FB2]  }
0x2a: {  	p0 =	seq.s32 s5, $0x0;
	s5 =	sld [smem:$0x3FB3]  }
0x2b: {  	s6 =	sld [smem:$0x3FB4]  }
0x2c: {  	s7 =	sld [smem:$0x3FB5]  }
0x2d: {  	s3 =	simm.s32 $0x108;
	s8 =	sld [smem:$0x3FB6]  }
0x2e: {  	s3 =	simm.s32 @!p0 $0x1082;
	s9 =	sld [smem:$0x3FB7]  }
0x2f: {  	lr =	sadd.s32 s0, s3;
	s0 =	sld [smem:$0x3FAE]  }
0x30: {  	s3 =	sld [smem:$0x3FB1]  }
0x31: {  	[smem:$0x3FBA] =	sst s10  }
0x32: {  	s10 =	sld [smem:$0x3FB8];
	_ =	sdelay $0x3  }
0x33: {  	p0 =	seq.s32 s10, $0x1;
	s10 =	sld [smem:$0x3FBA];
	_ =	sdelay $0x3  }
0x34: {  	[smem:$0x3FBA] =	sst s10  }
0x35: {  	s10 =	sld [smem:$0x3FB9];
	_ =	sdelay $0x3  }
0x36: {  	p1 =	seq.s32 s10, $0x1;
	s10 =	sld [smem:$0x3FBA];
	_ =	sdelay $0x3  }
0x37: {  	[smem:$0x3FBA] =	sst s10  }
0x38: {  	s10 =	sld [smem:$0x3FBB]  }
0x39: {  	_ = 	snop;
	(pc) =	sbr.ind lr, $3  }
0x3a: {  	_ = 	snop  }
0x3b: {  	_ = 	snop  }
0x3c: {  	p2 =	seq.s32 s10, $0x1;
	s10 =	sld [smem:$0x3FBA]  }
0x3d: {  	_ =	shalt  }
0x3e: {  	_ =	shalt  }
0x3f: {  	_ =	shalt  }
0x40: {  	_ =	shalt  }
0x41: {  	_ =	shalt  }
0x42: {  	_ =	shalt  }
0x43: {  	_ =	shalt  }
0x44: {  	_ =	shalt  }
0x45: {  	_ =	shalt  }
0x46: {  	_ =	shalt  }
0x47: {  	_ =	shalt  }
0x48: {  	_ =	shalt  }
0x49: {  	_ =	shalt  }
0x4a: {  	_ =	shalt  }
0x4b: {  	_ =	shalt  }
0x4c: {  	_ =	shalt  }
0x4d: {  	_ =	shalt  }
0x4e: {  	_ =	shalt  }
0x4f: {  	_ =	shalt  }
0x50: {  	_ =	shalt  }
0x51: {  	_ =	shalt  }
0x52: {  	_ =	shalt  }
0x53: {  	_ =	shalt  }
0x54: {  	_ =	shalt  }
0x55: {  	_ =	shalt  }
0x56: {  	_ =	shalt  }
0x57: {  	_ =	shalt  }
0x58: {  	_ =	shalt  }
0x59: {  	_ =	shalt  }
0x5a: {  	_ =	shalt  }
0x5b: {  	_ =	shalt  }
0x5c: {  	_ =	shalt  }
0x5d: {  	_ =	shalt  }
0x5e: {  	_ =	shalt  }
0x5f: {  	_ =	shalt  }
0x60: {  	_ =	shalt  }
0x61: {  	_ =	shalt  }
0x62: {  	_ =	shalt  }
0x63: {  	_ =	shalt  }
0x64: {  	_ =	shalt  }
0x65: {  	_ =	shalt  }
0x66: {  	_ =	shalt  }
0x67: {  	_ =	shalt  }
0x68: {  	_ =	shalt  }
0x69: {  	_ =	shalt  }
0x6a: {  	_ =	shalt  }
0x6b: {  	_ =	shalt  }
0x6c: {  	_ =	shalt  }
0x6d: {  	_ =	shalt  }
0x6e: {  	_ =	shalt  }
0x6f: {  	_ =	shalt  }
0x70: {  	_ =	shalt  }
0x71: {  	_ =	shalt  }
0x72: {  	_ =	shalt  }
0x73: {  	_ =	shalt  }
0x74: {  	_ =	shalt  }
0x75: {  	_ =	shalt  }
0x76: {  	_ =	shalt  }
0x77: {  	_ =	shalt  }
0x78: {  	_ =	shalt  }
0x79: {  	_ =	shalt  }
0x7a: {  	_ =	shalt  }
0x7b: {  	_ =	shalt  }
0x7c: {  	_ =	shalt  }
0x7d: {  	_ =	shalt  }
0x7e: {  	_ =	shalt  }
0x7f: {  	_ =	shalt  }
0x80: {  	_ =	shalt  }
0x81: {  	_ =	shalt  }
0x82: {  	_ =	shalt  }
0x83: {  	_ =	shalt  }
0x84: {  	_ =	shalt  }
0x85: {  	_ =	shalt  }
0x86: {  	_ =	shalt  }
0x87: {  	_ =	shalt  }
.Lfunc_end0:
.L_simem_size_0:
called_computation_lowered:
.L_overlay_start_0:
0x88: {  	s2 =	sld [smem:$0x3FD9]  }
0x89: {  	s3 =	sld [smem:$0x3FFE];
	_ =	sdelay $0x1  }
0x8a: {  	s1 =	srdreg.scid  }
0x8b: {  	s0 =	sand.u32 $0x1, s1  }
0x8c: {  	s17 =	sshll.u32 s0, $0xA;
	s2 =	sadd.s32 s3, s2  }
0x8d: {  	s2 =	sadd.s32 s2, s17  }
0x8e: {  	[smem:$0x3FC6] =	sst s2  }
0x8f: {  	_ = 	snop  }
0x90: {  	s2 =	sld [smem:$0x3FD0];
	(tm) =	ssettm $0x1  }
0x91: {  	s18 =	sld [smem:$0x3FFB];
	_ =	sdelay $0x3  }
0x92: {  	_ =	strace s18  }
0x93: {  	s3 =	sld [smem:$0x3FFC];
	_ =	sdelay $0x3  }
0x94: {  	_ =	strace s3  }
0x95: {  	s3 =	sld [smem:$0x3FFD];
	_ =	sdelay $0x3  }
0x96: {  	_ =	strace s3  }
0x97: {  	_ =	strace $0x8FFFFFFF  }
0x98: {  	s19 =	sld [smem:$0x3FDB];
	_ =	sdelay $0x1  }
0x99: {  	s4 =	simm.s32 $_scs_section_size  }
0x9a: {  	s5 =	simm.s32 $_size__tile_overlayer_lowered;
	s6 =	simm.s32 $_tile_overlayer_lowered  }
0x9b: {  	s22 =	simm.s32 $0x1BFF;
	s21 =	sshll.u32 s6, $0x1;
	s3 =	sadd.s32 s4, s19  }
0x9c: {  	s7 =	simm.s32 $0x0;
	s20 =	sshll.u32 s5, $0x1;
	s5 =	sadd.s32 s21, s3  }
0x9d: {  	[timem:s7], [sflag:s22] =	dma.local [hbm:s5], s20  }
0x9e: {  	_ =	swait.ge [sflag:s22], s20  }
0x9f: {  	s4 =	ssub.s32 $0x0, s20;
	[sflag:s22] =	ssyncset.done $0x0  }
0xa0: {  	[sflag:s22] =	ssyncadd.s32 s4;
	_ =	sdelay $0x1  }
0xa1: {  	s23 =	simm.s32 $0x1B8B  }
0xa2: {  	_ =	swait.ge [sflag:s23], $0x1  }
0xa3: {  	[sflag:s23] =	ssyncset.done $0x0  }
0xa4: {  	s25 =	simm.s32 $0x1B8E;
	s24 =	sld [smem:$0x3FFE];
	[sflag:s23] =	ssyncadd.s32 $0xFFFFFFFF  }
0xa5: {  	s26 =	simm.s32 $execute0_lowered;
	[smem:$0x3FD2] =	sst s25  }
0xa6: {  	s5 =	sshll.u32 s26, $0x1;
	_ =	strace $0x80000046;
	[dreg:$0x1] =	wrdreg $0xFFFFFFFF  }
0xa7: {  	s28 =	simm.s32 $_size_execute0_lowered;
	s3 =	sadd.s32 s3, s5;
	[dreg:$0x0] =	wrdreg $0x0  }
0xa8: {  	s5 =	sshll.u32 s28, $0x1;
	[dreg:$0x2] =	wrdreg s3  }
0xa9: {  	[dreg:$0x3] =	wrdreg s5  }
0xaa: {  	[dreg:$0x4] =	wrdreg $0xC0  }
0xab: {  	_ =	task [dreg:s7], $0x5FFFF  }
0xac: {  	[dreg:$0x1] =	wrdreg $0xFFFFFFFF  }
0xad: {  	[dreg:$0x0] =	wrdreg $0x60  }
0xae: {  	[dreg:$0x2] =	wrdreg s24  }
0xaf: {  	[dreg:$0x3] =	wrdreg s2  }
0xb0: {  	[dreg:$0x4] =	wrdreg $0x9  }
0xb1: {  	_ =	task.clear_ibuf [dreg:s7], $0x5FFFF;
	_ =	strace $0x90000046  }
0xb2: {  	s29 =	simm.s32 $0x9;
	_ =	strace $0x80000048  }
0xb3: {  	_ =	swait.ge [sflag:s29], $0x1  }
0xb4: {  	[sflag:s29] =	ssyncadd.s32 $0xFFFFFFFF  }
0xb5: {  	_ =	strace $0x90000048  }
0xb6: {  	_ =	sfence  }
0xb7: {  	s30 =	sld [smem:$0x0];
	_ =	sdelay $0x2  }
0xb8: {  	s31 =	sshll.u32 s1, $0xD;
	s1 =	sshrl.u32 s1, $0x2  }
0xb9: {  	s3 =	sand.u32 $0x4000, s31;
	s1 =	sadd.s32 s1, s30  }
0xba: {  	s0 =	sor.u32 s3, s0;
	s1 =	sshll.u32 s1, $0x11  }
0xbb: {  	s0 =	sor.u32 s1, s0  }
0xbc: {  	s0 =	sadd.s32 $0x8F2B, s0  }
0xbd: {  	[sflag:s0] =	ssyncadd.remote.s32 $0x1  }
0xbe: {  	_ =	sfence.sel $0xFFFF  }
0xbf: {  	[dreg:$0x0] =	wrdreg $0xFFFFFFFF;
	(pc) =	sbr.abs _section_cstart, $3  }
0xc0: {  	[dreg:$0x1] =	wrdreg $0xFFFFFFFF  }
0xc1: {  	_ =	task.clear_ibuf [dreg:s7], $0x2FFFF;
	_ =	strace $0x9FFFFFFF  }
0xc2: {  	(tm) =	ssettm $0x7FFFFFFF  }
0xc3: {  	_ =	shalt  }
tec
execute0_lowered:
.L_overlay_start_1:
0x0: {  	(tag) =	ssettag $0x1  }
0x1: {  	s0 =	rddreg [dreg:$0x0]  }
0x2: {  	s2 =	rddreg [dreg:$0x1]  }
0x3: {  	s4 =	srdreg.scid;
	s1 =	stileid.u32  }
0x4: {  	s3 =	simm.s32 $0x0;
	s10 =	simm.s32 $0x8400;
	s11 =	simm.s32 $0x5  }
0x5: {  	s12 =	simm.s32 $0x80;
	s14 =	simm.s32 $0x6400;
	s15 =	simm.s32 $0x6C00  }
0x6: {  	s16 =	simm.s32 $0x1;
	s17 =	simm.s32 $0x7400;
	s18 =	simm.s32 $0x7800  }
0x7: {  	s19 =	simm.s32 $0x2;
	s20 =	simm.s32 $0x4;
	s21 =	simm.s32 $0x7C00  }
0x8: {  	s22 =	simm.s32 $0x8000;
	s23 =	simm.s32 $0x3;
	s24 =	simm.s32 $0x0  }
0x9: {  	v0 =	vlaneseq.u32;
	s4 =	sand.u32 $0x1, s4;
	s5 =	sshll.u32 s1, $0x1;
	[smem:$0x7FF] =	sst s3  }
0xa: {  	v0 =	vmul.u32 $0x80, v0;
	s7 =	sor.u32 s4, s5;
	_ =	strace $0x80000047;
	s6 =	ssub.s32 $0x2, s4  }
0xb: {  	v1 =	vimm.s32 $0x0;
	vm0 =	vcmask $0x300;
	s4 =	sadd.s32 $0xF42C00, s0;
	s5 =	sshll.u32 s7, $0x4;
	s9 =	sshrl.u32 s6, $0x1  }
0xc: {  	v1 =	vsel vm0, $0x3, v1;
	s7 =	sshll.u32 s7, $0xA;
	v2 =	vor.u32 $0x1, v0;
	s8 =	sadd.s32 s5, s0;
	s0 =	sadd.s32 $0x19800, s0  }
0xd: {  	v3 =	vor.u32 $0x2, v0;
	v4 =	vor.u32 $0x3, v0;
	v5 =	vor.u32 $0x4, v0;
	s30 =	ssub.s32 s6, s9;
	[dreg:$0x3] =	wrdreg s0;
	s31 =	sadd.s32 $0x800, s8  }
0xe: {  	v6 =	vor.u32 $0x5, v0;
	v7 =	vor.u32 $0x6, v0;
	v8 =	vor.u32 $0x7, v0;
	s8 =	sadd.s32 $0x1000, s2;
	s9 =	smax.u32 s30, $0x1;
	[dreg:$0x4] =	wrdreg s31  }
.LBB2_1:
0xf: {  	s0 =	rddreg [dreg:$0x3]  }
0x10: {  	[tilespmem:s10], [sflag:$0x5] =	stream.linear.gather [hbm4b:s0+s3], $0x1000, $0x38;
	[tilespmem:$0x9400] =	vst v63  }
0x11: {  	_ =	swait.ge [sflag:s11], $0x1000  }
0x12: {  	[sflag:s11] =	ssyncset.done $0x0  }
0x13: {  	s1 =	simm.s32 $0x1000;
	s31 =	rddreg [dreg:$0x4];
	[sflag:s11] =	ssyncadd.s32 $0xFFFFF000  }
0x14: {  	[tilespmem:s3], [sflag:$0x5] =	stream.strided.gather [hbm4b:s31+s12], $0x6400, s1, s12, $0x38;
	[tilespmem:$0x9400] =	vst v63  }
0x15: {  	_ =	swait.ge [sflag:s11], $0x6400  }
0x16: {  	[sflag:s11] =	ssyncset.done $0x0  }
0x17: {  	s25 =	simm.s32 $0x0;
	[sflag:s11] =	ssyncadd.s32 $0xFFFF9C00  }
0x18: {  	[tilespmem:s14], [sflag:$0x1] =	stream.indirect.gather [hbm4b:s4+s12], $0x10, s3, s12, $0xb8;
	[tilespmem:$0x9400] =	vst v63  }
.LBB2_2:
0x19: {  	s26 =	sshllo.u32 s25, $0x1  }
0x1a: {  	s0 =	sshll.u32 s26, $0x7  }
0x1b: {  	p0 =	seq.s32 s25, $0x0;
	s28 =	simm.s32 $0x0;
	s0 =	sand.u32 $0x3FFFFF80, s0  }
0x1c: {  	[tilespmem:s15], [sflag:$0x2] =	stream.indirect.gather [hbm4b:s4+s12], $0x10, s0, s12, $0xb8;
	[tilespmem:$0x9400] =	vst v63  }
0x1d: {  	s29 =	simm.s32 $0x4;
	s30 =	simm.s32 $0x3;
	_ =	swait.ge [sflag:s16], $0x800  }
0x1e: {  	s13 =	simm.s32 $0xC;
	s1 =	simm.s32 $0x2;
	v9 =	vmov s28;
	v10 =	vmov s29;
	[sflag:s16] =	ssyncset.done $0x0  }
0x1f: {  	s6 =	simm.s32 $0x5;
	v11 =	vmov s30;
	v17 =	vmov s13;
	v20 =	vmov s1;
	s0 =	simm.s32 @!p0 $0x3;
	[sflag:s16] =	ssyncadd.s32 $0xFFFFF800  }
0x20: {  	s28 =	simm.s32 $0xD;
	s29 =	simm.s32 $0x1;
	v33 =	vmov s6;
	v9 =	vshrl.u32 v9, $0x3;
	v10 =	vshrl.u32 v10, $0x3;
	_ =	swait.ge @!p0 [sflag:s0], $0x400  }
0x21: {  	s30 =	simm.s32 $0xB;
	v12 =	vmov s28;
	v11 =	vshrl.u32 v11, $0x3;
	v13 =	vmov s29;
	[sflag:s0] =	ssyncset.done @!p0 $0x0  }
0x22: {  	s13 =	simm.s32 $0xF;
	v15 =	vmov s30;
	v20 =	vshrl.u32 v20, $0x3;
	v33 =	vshrl.u32 v33, $0x3;
	[sflag:s0] =	ssyncadd.s32 @!p0 $0xFFFFFC00  }
0x23: {  	v41 =	vshrl.u32 v17, $0x3;
	v43 =	vmov s13;
	v9 =	vshll.u32 v9, v1;
	_ =	swait.ge @!p0 [sflag:s0], $0x400  }
0x24: {  	s29 =	simm.s32 $0x6;
	v12 =	vshrl.u32 v12, $0x3;
	v13 =	vshrl.u32 v13, $0x3;
	v18 =	vshll.u32 v11, v1;
	[sflag:s0] =	ssyncset.done @!p0 $0x0  }
0x25: {  	s28 =	simm.s32 $0x6480;
	s30 =	simm.s32 $0x9;
	v19 =	vmov s29;
	v21 =	vshrl.u32 v15, $0x3;
	v23 =	vshll.u32 v10, v1;
	[sflag:s0] =	ssyncadd.s32 @!p0 $0xFFFFFC00  }
0x26: {  	v33 =	vshll.u32 v33, v1;
	v50 =	vmov s30;
	v20 =	vshll.u32 v20, v1;
	v14 =	vld [tilespmem:s28+$0xFFFFFF80]  }
0x27: {  	v9 =	vbroadcast v9, $0x0;
	v12 =	vshll.u32 v12, v1;
	v13 =	vshll.u32 v13, v1;
	v16 =	vld [tilespmem:s28+$0x70]  }
0x28: {  	v19 =	vshrl.u32 v19, $0x3;
	v20 =	vbroadcast v20, $0x0;
	v23 =	vbroadcast v23, $0x0;
	v22 =	vld [tilespmem:s28+$0x40]  }
0x29: {  	s31 =	simm.s32 $0xA;
	v21 =	vshll.u32 v21, v1;
	v18 =	vbroadcast v18, $0x0;
	v33 =	vbroadcast v33, $0x0;
	v27 =	vld [tilespmem:s28+$0xFFFFFFD0]  }
0x2a: {  	v11 =	vbroadcast v12, $0x0;
	v12 =	vmov s31;
	v13 =	vbroadcast v13, $0x0;
	v30 =	vld [tilespmem:s28+$0x30]  }
0x2b: {  	s5 =	simm.s32 $0xE;
	v19 =	vshll.u32 v19, v1;
	v21 =	vbroadcast v21, $0x0;
	v12 =	vshrl.u32 v12, $0x3;
	v32 =	vld [tilespmem:s28+$0x10]  }
0x2c: {  	s31 =	simm.s32 $0x8;
	v26 =	vor.u32 v0, v9;
	v9 =	vmov s5;
	v19 =	vbroadcast v19, $0x0;
	v35 =	vld [tilespmem:s28+$0x0]  }
0x2d: {  	v20 =	vadd.s32 v3, v20;
	v23 =	vadd.s32 v5, v23;
	v60 =	vmov s31;
	v38 =	vld [tilespmem:s28+$0xFFFFFF90]  }
0x2e: {  	v18 =	vadd.s32 v4, v18;
	v33 =	vadd.s32 v6, v33;
	v15 =	vshll.u32 v12, v1;
	v61 =	vld [tilespmem:s28+$0xFFFFFFA0]  }
0x2f: {  	v28 =	vadd.s32 v2, v13;
	v9 =	vshrl.u32 v9, $0x3;
	v11 =	vadd.s32 v6, v11;
	v17 =	vld [tilespmem:s28+$0x20]  }
0x30: {  	v42 =	vshll.u32 v9, v1;
	v47 =	vld [tilespmem:s28+$0xFFFFFFC0];
	v25 =	vcvt.s32.f32 v14;
	v12 =	vshrl.u32 v14, $0xB  }
0x31: {  	v10 =	vld [tilespmem:s28+$0x50];
	v14 =	vshrl.u32 v16, $0xB;
	v13 =	vshrl.u32 v22, $0xB;
	v39 =	vshrl.u32 v30, $0xB  }
0x32: {  	v40 =	vshrl.u32 v32, $0xB;
	v44 =	vshrl.u32 v35, $0xB;
	v35 =	vcvt.s32.f32 v35  }
0x33: {  	v62 =	vld [tilespmem:s28+$0xFFFFFFE0];
	v45 =	vshrl.u32 v38, $0xB;
	v48 =	vshrl.u32 v27, $0xB;
	v29 =	vand.u32 $0xFFF, v12  }
0x34: {  	v51 =	vshrl.u32 v17, $0xB;
	v53 =	vcvt.s32.f32 v61;
	v34 =	vand.u32 $0xFFF, v13  }
0x35: {  	v24 =	vld [tilespmem:s28+$0x60];
	v54 =	vshrl.u32 v47, $0xB;
	v12 =	vcvt.s32.f32 v22;
	v39 =	vand.u32 $0xFFF, v39  }
0x36: {  	v22 =	vld [tilespmem:s28+$0xFFFFFFB0];
	v13 =	vshrl.u32 v10, $0xB;
	v44 =	vand.u32 $0xFFF, v44;
	v45 =	vand.u32 $0xFFF, v45  }
0x37: {  	v36 =	vand.u32 $0xFFF, v13;
	v13 =	vcvt.s32.f32 v16;
	v16 =	vcvt.s32.f32 v30;
	v30 =	vld [tilespmem:s28+$0xFFFFFFF0]  }
0x38: {  	v56 =	vshrl.u32 v62, $0xB;
	v27 =	vcvt.s32.f32 v27;
	v40 =	vand.u32 $0xFFF, v40;
	v29 =	vld.idx.msk [tilespmem:v29+s10+$0x0], $0xffff  }
0x39: {  	v47 =	vcvt.s32.f32 v47;
	v63 =	vand.u32 $0xFFF, v48;
	v48 =	vand.u32 $0xFFF, v56;
	v34 =	vld.idx.msk [tilespmem:v34+s10+$0x0], $0xffff  }
0x3a: {  	v55 =	vcvt.s32.f32 v17;
	v32 =	vcvt.s32.f32 v32;
	v51 =	vand.u32 $0xFFF, v51;
	v39 =	vld.idx.msk [tilespmem:v39+s10+$0x0], $0xffff  }
0x3b: {  	v31 =	vand.u32 $0xFFF, v14;
	v14 =	vshrl.u32 v24, $0xB;
	v10 =	vcvt.s32.f32 v10;
	v57 =	vld.idx.msk [tilespmem:v45+s10+$0x0], $0xffff  }
0x3c: {  	v37 =	vand.u32 $0xFFF, v14;
	v14 =	vcvt.s32.f32 v24;
	v24 =	vshrl.u32 v61, $0xB;
	v44 =	vld.idx.msk [tilespmem:v44+s10+$0x0], $0xffff  }
0x3d: {  	v59 =	vand.u32 $0xFFF, v54;
	v54 =	vshrl.u32 v60, $0x3;
	v24 =	vand.u32 $0xFFF, v24;
	v40 =	vld.idx.msk [tilespmem:v40+s10+$0x0], $0xffff  }
0x3e: {  	v25 =	vmul.f32 $8.262958320e-08, v25;
	v53 =	vmul.f32 $8.262958320e-08, v53;
	v9 =	vshrl.u32 v22, $0xB;
	v48 =	vld.idx.msk [tilespmem:v48+s10+$0x0], $0xffff  }
0x3f: {  	s28 =	simm.s32 $0x7;
	v27 =	vmul.f32 $8.262958320e-08, v27;
	v61 =	vshrl.u32 v50, $0x3;
	v51 =	vld.idx.msk [tilespmem:v51+s10+$0x0], $0xffff;
	v46 =	vand.u32 $0xFFF, v9  }
0x40: {  	v50 =	vmul.f32 $8.262958320e-08, v47;
	v32 =	vmul.f32 $8.262958320e-08, v32;
	v52 =	vmov s28;
	v36 =	vld.idx.msk [tilespmem:v36+s10+$0x0], $0xffff  }
0x41: {  	v10 =	vmul.f32 $8.262958320e-08, v10;
	v52 =	vshrl.u32 v52, $0x3;
	v49 =	vshrl.u32 v30, $0xB;
	v17 =	vld.idx.msk [tilespmem:v37+s10+$0x0], $0xffff  }
0x42: {  	v52 =	vshll.u32 v52, v1;
	v22 =	vcvt.s32.f32 v22;
	v58 =	vand.u32 $0xFFF, v49;
	v24 =	vld.idx.msk [tilespmem:v24+s10+$0x0], $0xffff  }
0x43: {  	v54 =	vshll.u32 v54, v1;
	v52 =	vbroadcast v52, $0x0;
	v9 =	vcvt.s32.f32 v38;
	v49 =	vld.idx.msk [tilespmem:v59+s10+$0x0], $0xffff  }
0x44: {  	v19 =	vadd.s32 v7, v19;
	v38 =	vcvt.s32.f32 v62;
	v62 =	vbroadcast v54, $0x0;
	v46 =	vld.idx.msk [tilespmem:v46+s10+$0x0], $0xffff  }
0x45: {  	v37 =	vshll.u32 v61, v1;
	v25 =	vadd.f32 v25, v29;
	v29 =	vmul.f32 $8.262958320e-08, v9;
	v9 =	vld.idx.msk [tilespmem:v31+s10+$0x0], $0xffff  }
0x46: {  	v22 =	vmul.f32 $8.262958320e-08, v22;
	v52 =	vadd.s32 v8, v52;
	v37 =	vbroadcast v37, $0x0;
	v31 =	vld.idx.msk [tilespmem:v63+s10+$0x0], $0xffff  }
0x47: {  	v59 =	vbroadcast v15, $0x0;
	v15 =	vshll.u32 v41, v1;
	v29 =	vadd.f32 v29, v57;
	v63 =	vld.idx.msk [tilespmem:v58+s10+$0x0], $0xffff  }
0x48: {  	v54 =	vcvt.s32.f32 v30;
	[tilespmem:v26+s17+$0x0] =	vst.idx.msk $0xffff, v25;
	v57 =	vadd.s32 v0, v62;
	v24 =	vadd.f32 v53, v24  }
0x49: {  	v56 =	vmul.f32 $8.262958320e-08, v38;
	v58 =	vadd.s32 v2, v37;
	[tilespmem:v28+s17+$0x0] =	vst.idx.msk $0xffff, v29;
	v22 =	vadd.f32 v22, v46  }
0x4a: {  	v61 =	vmul.f32 $8.262958320e-08, v54;
	v60 =	vadd.f32 v50, v49;
	v62 =	vadd.f32 v32, v40;
	[tilespmem:v20+s17+$0x0] =	vst.idx.msk $0xffff, v24  }
0x4b: {  	v27 =	vadd.f32 v27, v31;
	v20 =	vbroadcast v15, $0x0;
	v15 =	vadd.s32 v4, v21;
	[tilespmem:v18+s17+$0x0] =	vst.idx.msk $0xffff, v22  }
0x4c: {  	v21 =	vadd.f32 v56, v48;
	v24 =	vadd.f32 v61, v63;
	v22 =	vmul.f32 $8.262958320e-08, v35;
	[tilespmem:v23+s17+$0x0] =	vst.idx.msk $0xffff, v60  }
0x4d: {  	v18 =	vadd.s32 v5, v20;
	v20 =	vmul.f32 $8.262958320e-08, v55;
	v23 =	vadd.s32 v3, v59;
	[tilespmem:v33+s17+$0x0] =	vst.idx.msk $0xffff, v27  }
0x4e: {  	v63 =	vbroadcast v42, $0x0;
	v22 =	vadd.f32 v22, v44;
	[tilespmem:v19+s17+$0x0] =	vst.idx.msk $0xffff, v21;
	v19 =	vshrl.u32 v43, $0x3  }
0x4f: {  	v21 =	vadd.f32 v20, v51;
	v20 =	vmul.f32 $8.262958320e-08, v16;
	[tilespmem:v52+s17+$0x0] =	vst.idx.msk $0xffff, v24;
	v19 =	vshll.u32 v19, v1  }
0x50: {  	v12 =	vmul.f32 $8.262958320e-08, v12;
	v10 =	vadd.f32 v10, v36;
	[tilespmem:v57+s17+$0x0] =	vst.idx.msk $0xffff, v22;
	v22 =	vbroadcast v19, $0x0  }
0x51: {  	v16 =	vadd.s32 v7, v63;
	v19 =	vadd.f32 v20, v39;
	v20 =	vmul.f32 $8.262958320e-08, v14;
	[tilespmem:v58+s17+$0x0] =	vst.idx.msk $0xffff, v62  }
0x52: {  	s29 =	simm.s32 $0x1F;
	s28 =	simm.s32 $0x6580;
	v14 =	vmul.f32 $8.262958320e-08, v13;
	v13 =	vadd.f32 v12, v34;
	[tilespmem:v23+s17+$0x0] =	vst.idx.msk $0xffff, v21;
	v12 =	vadd.s32 v8, v22  }
.LBB2_3:
0x53: {  	s0 =	sadd.s32 $0xFFFFFFF1, s29  }
0x54: {  	s1 =	sadd.s32 $0xFFFFFFF4, s29;
	s13 =	sadd.s32 $0xFFFFFFF5, s29;
	v17 =	vadd.f32 v20, v17;
	v9 =	vadd.f32 v14, v9;
	[tilespmem:v15+s17+$0x0] =	vst.idx.msk $0xffff, v19;
	s30 =	smov.u32 s29  }
0x55: {  	s31 =	sadd.s32 $0xFFFFFFFA, s29;
	s5 =	sadd.s32 $0xFFFFFFFB, s29;
	s6 =	sadd.s32 $0xFFFFFFFE, s29;
	v14 =	vmov s0;
	v15 =	vmov s1;
	v19 =	vmov s13;
	[tilespmem:v18+s17+$0x0] =	vst.idx.msk $0xffff, v13  }
0x56: {  	s1 =	sadd.s32 $0xFFFFFFF2, s30;
	s13 =	sadd.s32 $0xFFFFFFFD, s30;
	v18 =	vmov s6;
	s0 =	sadd.s32 $0x10, s29;
	v13 =	vshrl.u32 v14, $0x3;
	v14 =	vshrl.u32 v19, $0x3;
	[tilespmem:v11+s17+$0x0] =	vst.idx.msk $0xffff, v10  }
0x57: {  	p1 =	sne.s32 s29, $0x7F;
	s6 =	sadd.s32 $0xFFFFFFF3, s30;
	v11 =	vshrl.u32 v15, $0x3;
	v20 =	vmov s13;
	v10 =	vshll.u32 v13, v1;
	[tilespmem:v16+s17+$0x0] =	vst.idx.msk $0xffff, v17  }
0x58: {  	s29 =	sadd.s32 $0xFFFFFFFC, s30;
	s13 =	sadd.s32 $0xFFFFFFF7, s30;
	v15 =	vshrl.u32 v18, $0x3;
	v13 =	vmov s1;
	v10 =	vbroadcast v10, $0x0;
	[tilespmem:v12+s17+$0x0] =	vst.idx.msk $0xffff, v9  }
0x59: {  	v15 =	vshll.u32 v15, v1;
	v12 =	vshrl.u32 v13, $0x3;
	v13 =	vmov s29;
	v9 =	vld [tilespmem:s28+$0xFFFFFF80]  }
0x5a: {  	s1 =	sadd.s32 $0xFFFFFFF6, s30;
	v17 =	vshll.u32 v11, v1;
	v18 =	vmov s13;
	v11 =	vbroadcast v15, $0x0;
	v16 =	vld [tilespmem:s28+$0x70]  }
0x5b: {  	v21 =	vmov s6;
	v15 =	vmov s5;
	v24 =	vshrl.u32 v13, $0x3;
	v23 =	vld [tilespmem:s28+$0x50]  }
0x5c: {  	v25 =	vshll.u32 v14, v1;
	v12 =	vshll.u32 v12, v1;
	v14 =	vshrl.u32 v15, $0x3;
	v13 =	vld [tilespmem:s28+$0x40]  }
0x5d: {  	s5 =	sadd.s32 $0xFFFFFFFF, s30;
	v27 =	vshrl.u32 v18, $0x3;
	v12 =	vbroadcast v12, $0x0;
	v15 =	vshll.u32 v14, v1;
	v26 =	vld [tilespmem:s28+$0x60]  }
0x5e: {  	v19 =	vor.u32 v0, v10;
	v10 =	vmov s5;
	v14 =	vcvt.s32.f32 v9;
	v28 =	vld [tilespmem:s28+$0xFFFFFFD0]  }
0x5f: {  	v18 =	vadd.s32 v2, v12;
	v9 =	vshrl.u32 v9, $0xB;
	v22 =	vld [tilespmem:s28+$0x10];
	v29 =	vshrl.u32 v16, $0xB  }
0x60: {  	v31 =	vmov s1;
	v9 =	vand.u32 $0xFFF, v9;
	v30 =	vld [tilespmem:s28+$0x30];
	v29 =	vand.u32 $0xFFF, v29  }
0x61: {  	v34 =	vshrl.u32 v21, $0x3;
	v32 =	vld [tilespmem:s28+$0xFFFFFFB0];
	v33 =	vshrl.u32 v13, $0xB;
	v12 =	vcvt.s32.f32 v13  }
0x62: {  	s1 =	sadd.s32 $0xFFFFFFF8, s30;
	v13 =	vshrl.u32 v23, $0xB;
	v35 =	vld [tilespmem:s28+$0xFFFFFFA0];
	v33 =	vand.u32 $0xFFF, v33;
	v21 =	vshrl.u32 v26, $0xB  }
0x63: {  	v36 =	vmul.f32 $8.262958320e-08, v14;
	v38 =	vand.u32 $0xFFF, v13;
	v37 =	vld [tilespmem:s28+$0x0];
	v39 =	vand.u32 $0xFFF, v21  }
0x64: {  	v14 =	vcvt.s32.f32 v16;
	v13 =	vcvt.s32.f32 v26;
	v21 =	vshrl.u32 v31, $0x3;
	v40 =	vld [tilespmem:s28+$0xFFFFFF90]  }
0x65: {  	v26 =	vld [tilespmem:s28+$0xFFFFFFF0];
	v31 =	vshrl.u32 v30, $0xB;
	v16 =	vcvt.s32.f32 v30;
	v30 =	vshll.u32 v21, v1  }
0x66: {  	v10 =	vshrl.u32 v10, $0x3;
	v41 =	vshrl.u32 v22, $0xB;
	v9 =	vld.idx.msk [tilespmem:v9+s10+$0x0], $0xffff;
	v31 =	vand.u32 $0xFFF, v31  }
0x67: {  	v43 =	vshrl.u32 v20, $0x3;
	v20 =	vmov s30;
	v21 =	vshll.u32 v10, v1;
	v42 =	vld [tilespmem:s28+$0x20]  }
0x68: {  	v10 =	vshrl.u32 v32, $0xB;
	v44 =	vld [tilespmem:s28+$0xFFFFFFE0];
	v45 =	vshrl.u32 v37, $0xB;
	v37 =	vcvt.s32.f32 v37  }
0x69: {  	v10 =	vand.u32 $0xFFF, v10;
	v46 =	vshrl.u32 v40, $0xB;
	v47 =	vld [tilespmem:s28+$0xFFFFFFC0];
	v45 =	vand.u32 $0xFFF, v45  }
0x6a: {  	v32 =	vcvt.s32.f32 v32;
	v40 =	vcvt.s32.f32 v40;
	v46 =	vand.u32 $0xFFF, v46  }
0x6b: {  	v23 =	vcvt.s32.f32 v23;
	v48 =	vshrl.u32 v28, $0xB;
	v49 =	vshrl.u32 v26, $0xB  }
0x6c: {  	v50 =	vmov s31;
	v36 =	vadd.f32 v36, v9;
	v40 =	vmul.f32 $8.262958320e-08, v40  }
0x6d: {  	v52 =	vmov s1;
	v24 =	vshll.u32 v24, v1;
	v51 =	vshrl.u32 v42, $0xB;
	v38 =	vld.idx.msk [tilespmem:v38+s10+$0x0], $0xffff  }
0x6e: {  	v23 =	vmul.f32 $8.262958320e-08, v23;
	v53 =	vcvt.s32.f32 v35;
	v54 =	vshrl.u32 v47, $0xB;
	v9 =	vld.idx.msk [tilespmem:v29+s10+$0x0], $0xffff  }
0x6f: {  	v27 =	vshll.u32 v27, v1;
	v29 =	vshrl.u32 v35, $0xB;
	v35 =	vand.u32 $0xFFF, v41;
	v33 =	vld.idx.msk [tilespmem:v33+s10+$0x0], $0xffff  }
0x70: {  	v28 =	vcvt.s32.f32 v28;
	v48 =	vand.u32 $0xFFF, v48;
	v41 =	vld.idx.msk [tilespmem:v10+s10+$0x0], $0xffff;
	v10 =	vshrl.u32 v44, $0xB  }
0x71: {  	v34 =	vshll.u32 v34, v1;
	v27 =	vbroadcast v27, $0x0;
	v55 =	vand.u32 $0xFFF, v10;
	v31 =	vld.idx.msk [tilespmem:v31+s10+$0x0], $0xffff  }
0x72: {  	v52 =	vshrl.u32 v52, $0x3;
	v32 =	vmul.f32 $8.262958320e-08, v32;
	v51 =	vand.u32 $0xFFF, v51;
	v46 =	vld.idx.msk [tilespmem:v46+s10+$0x0], $0xffff  }
0x73: {  	v29 =	vand.u32 $0xFFF, v29;
	v10 =	vadd.f32 v23, v38;
	v23 =	vbroadcast v34, $0x0;
	v45 =	vld.idx.msk [tilespmem:v45+s10+$0x0], $0xffff  }
0x74: {  	v17 =	vbroadcast v17, $0x0;
	v25 =	vbroadcast v25, $0x0;
	v34 =	vand.u32 $0xFFF, v49;
	v35 =	vld.idx.msk [tilespmem:v35+s10+$0x0], $0xffff  }
0x75: {  	s1 =	sadd.s32 $0xFFFFFFF9, s30;
	v38 =	vand.u32 $0xFFF, v54;
	v49 =	vshll.u32 v52, v1;
	v23 =	vadd.s32 v3, v23;
	v48 =	vld.idx.msk [tilespmem:v48+s10+$0x0], $0xffff  }
0x76: {  	v25 =	vadd.s32 v5, v25;
	v54 =	vmov s1;
	v49 =	vbroadcast v49, $0x0;
	v52 =	vld.idx.msk [tilespmem:v55+s10+$0x0], $0xffff  }
0x77: {  	v27 =	vadd.s32 v7, v27;
	v54 =	vshrl.u32 v54, $0x3;
	v55 =	vadd.s32 v4, v17;
	v51 =	vld.idx.msk [tilespmem:v51+s10+$0x0], $0xffff  }
0x78: {  	v28 =	vmul.f32 $8.262958320e-08, v28;
	v53 =	vmul.f32 $8.262958320e-08, v53;
	v17 =	vld.idx.msk [tilespmem:v39+s10+$0x0], $0xffff;
	v39 =	vshll.u32 v54, v1  }
0x79: {  	v42 =	vcvt.s32.f32 v42;
	v47 =	vcvt.s32.f32 v47;
	v49 =	vadd.s32 v8, v49;
	v29 =	vld.idx.msk [tilespmem:v29+s10+$0x0], $0xffff  }
0x7a: {  	v32 =	vadd.f32 v32, v41;
	v41 =	vcvt.s32.f32 v44;
	v44 =	vshrl.u32 v50, $0x3;
	v38 =	vld.idx.msk [tilespmem:v38+s10+$0x0], $0xffff  }
0x7b: {  	v22 =	vcvt.s32.f32 v22;
	v44 =	vshll.u32 v44, v1;
	v39 =	vbroadcast v39, $0x0;
	v34 =	vld.idx.msk [tilespmem:v34+s10+$0x0], $0xffff  }
0x7c: {  	v40 =	vadd.f32 v40, v46;
	[tilespmem:v19+s17+$0x0] =	vst.idx.msk $0xffff, v36;
	v19 =	vbroadcast v30, $0x0;
	v30 =	vbroadcast v44, $0x0  }
0x7d: {  	v26 =	vcvt.s32.f32 v26;
	v28 =	vadd.f32 v28, v48;
	v36 =	vmul.f32 $8.262958320e-08, v47  }
0x7e: {  	v41 =	vmul.f32 $8.262958320e-08, v41;
	v39 =	vadd.s32 v0, v39;
	[tilespmem:v18+s17+$0x0] =	vst.idx.msk $0xffff, v40;
	v30 =	vadd.s32 v2, v30  }
0x7f: {  	v24 =	vbroadcast v24, $0x0;
	v18 =	vadd.f32 v53, v29;
	v19 =	vadd.s32 v6, v19  }
0x80: {  	v29 =	vadd.f32 v36, v38;
	v36 =	vbroadcast v15, $0x0;
	v38 =	vshll.u32 v43, v1  }
0x81: {  	v22 =	vmul.f32 $8.262958320e-08, v22;
	v15 =	vadd.s32 v4, v24;
	[tilespmem:v23+s17+$0x0] =	vst.idx.msk $0xffff, v18;
	v18 =	vbroadcast v38, $0x0  }
0x82: {  	v24 =	vmul.f32 $8.262958320e-08, v26;
	v26 =	vmul.f32 $8.262958320e-08, v42;
	v23 =	vadd.f32 v41, v52;
	[tilespmem:v55+s17+$0x0] =	vst.idx.msk $0xffff, v32  }
0x83: {  	v32 =	vmul.f32 $8.262958320e-08, v37;
	[tilespmem:v25+s17+$0x0] =	vst.idx.msk $0xffff, v29;
	v25 =	vadd.s32 v3, v36;
	v18 =	vadd.s32 v5, v18  }
0x84: {  	v22 =	vadd.f32 v22, v35;
	v24 =	vadd.f32 v24, v34;
	[tilespmem:v19+s17+$0x0] =	vst.idx.msk $0xffff, v28;
	v19 =	vbroadcast v21, $0x0  }
.Ltmp0:
0x85: {  	v20 =	vshrl.u32 v20, $0x3;
	v26 =	vadd.f32 v26, v51;
	v21 =	vadd.f32 v32, v45;
	[tilespmem:v27+s17+$0x0] =	vst.idx.msk $0xffff, v23;
	(pc) =	sbr.rel @p1 .LBB2_3-.Ltmp0, $4  }
0x86: {  	v23 =	vmul.f32 $8.262958320e-08, v16;
	[tilespmem:v49+s17+$0x0] =	vst.idx.msk $0xffff, v24;
	v16 =	vadd.s32 v7, v19;
	v19 =	vshll.u32 v20, v1  }
0x87: {  	v11 =	vadd.s32 v6, v11;
	v12 =	vmul.f32 $8.262958320e-08, v12;
	[tilespmem:v39+s17+$0x0] =	vst.idx.msk $0xffff, v21;
	v21 =	vbroadcast v19, $0x0  }
0x88: {  	v14 =	vmul.f32 $8.262958320e-08, v14;
	v20 =	vmul.f32 $8.262958320e-08, v13;
	v19 =	vadd.f32 v23, v31;
	[tilespmem:v30+s17+$0x0] =	vst.idx.msk $0xffff, v22  }
0x89: {  	s29 =	smov.u32 s0;
	s28 =	sadd.s32 $0x100, s28;
	v13 =	vadd.f32 v12, v33;
	[tilespmem:v25+s17+$0x0] =	vst.idx.msk $0xffff, v26;
	v12 =	vadd.s32 v8, v21  }
0x8a: {  	_ =	sdelay $0x3  }
0x8b: {  	[tilespmem:v15+s17+$0x0] =	vst.idx.msk $0xffff, v19  }
0x8c: {  	v63 =	vadd.f32 v20, v17;
	s0 =	sshll.u32 s25, $0x11;
	[tilespmem:v18+s17+$0x0] =	vst.idx.msk $0xffff, v13  }
0x8d: {  	v9 =	vadd.f32 v14, v9;
	p1 =	sne.s32 s25, $0x63;
	s0 =	sor.u32 s7, s0;
	[tilespmem:v11+s17+$0x0] =	vst.idx.msk $0xffff, v10  }
.Ltmp1:
0x8e: {  	s0 =	sshrl.u32 s0, $0x3;
	[tilespmem:v16+s17+$0x0] =	vst.idx.msk $0xffff, v63;
	(pc) =	sbr.rel @p1 .LBB2_6-.Ltmp1, $4  }
0x8f: {  	s1 =	sadd.s32 s2, s0;
	[tilespmem:v12+s17+$0x0] =	vst.idx.msk $0xffff, v9  }
0x90: {  	[hbm4b:s1+s3] =	stream.linear.scatter [tilespmem:s17], [sflag:$0x3], $0x400, $0x38;
	[tilespmem:$0x9400] =	vst v63  }
0x91: {  	s0 =	sadd.s32 s0, s8  }
0x92: {  	[hbm4b:s0+s3] =	stream.linear.scatter [tilespmem:s18], [sflag:$0x3], $0x400, $0x38;
	[tilespmem:$0x9400] =	vst v63  }
.Ltmp2:
0x93: {  	(pc) =	sbr.rel .LBB2_7-.Ltmp2, $4  }
0x94: {  	_ = 	snop  }
0x95: {  	_ =	swait.ge [sflag:s19], $0x800  }
0x96: {  	[sflag:s19] =	ssyncset.done $0x0  }
0x97: {  	[sflag:s19] =	ssyncadd.s32 $0xFFFFF800  }
.LBB2_6:
0x98: {  	s0 =	sshll.u32 s25, $0x8  }
0x99: {  	s0 =	sand.u32 $0x3FFFFF00, s0  }
.Ltmp3:
0x9a: {  	s0 =	sadd.s32 $0x100, s0;
	(pc) =	sbr.rel @p0 .LBB2_8-.Ltmp3, $4  }
0x9b: {  	[tilespmem:s14], [sflag:$0x1] =	stream.indirect.gather [hbm4b:s4+s12], $0x10, s0, s12, $0xb8;
	[tilespmem:$0x9400] =	vst v63  }
0x9c: {  	_ =	swait.ge [sflag:s19], $0x800  }
0x9d: {  	[sflag:s19] =	ssyncset.done $0x0  }
0x9e: {  	[sflag:s19] =	ssyncadd.s32 $0xFFFFF800  }
.LBB2_7:
0x9f: {  	_ =	swait.ge [sflag:s20], $0x400  }
0xa0: {  	[sflag:s20] =	ssyncset.done $0x0  }
0xa1: {  	[sflag:s20] =	ssyncadd.s32 $0xFFFFFC00  }
0xa2: {  	_ =	swait.ge [sflag:s20], $0x400  }
0xa3: {  	[sflag:s20] =	ssyncset.done $0x0  }
0xa4: {  	[sflag:s20] =	ssyncadd.s32 $0xFFFFFC00  }
.LBB2_8:
0xa5: {  	s0 =	simm.s32 $0x0;
	s1 =	simm.s32 $0x4  }
0xa6: {  	s5 =	simm.s32 $0x3;
	s30 =	simm.s32 $0xD;
	s6 =	simm.s32 $0xC;
	v9 =	vmov s0;
	v10 =	vmov s1  }
0xa7: {  	s31 =	simm.s32 $0x1;
	s13 =	simm.s32 $0xB;
	s29 =	simm.s32 $0x6;
	v11 =	vmov s5;
	v12 =	vmov s30;
	v17 =	vmov s6  }
0xa8: {  	v13 =	vmov s31;
	v15 =	vmov s13;
	v19 =	vmov s29  }
0xa9: {  	s31 =	simm.s32 $0x2;
	v9 =	vshrl.u32 v9, $0x3;
	v10 =	vshrl.u32 v10, $0x3;
	v11 =	vshrl.u32 v11, $0x3  }
0xaa: {  	s28 =	simm.s32 $0x6CF0;
	s6 =	simm.s32 $0x5;
	v12 =	vshrl.u32 v12, $0x3;
	v13 =	vshrl.u32 v13, $0x3;
	v20 =	vmov s31  }
0xab: {  	v14 =	vld [tilespmem:s28+$0xFFFFFF10];
	s29 =	simm.s32 $0x9;
	v21 =	vshrl.u32 v15, $0x3;
	v19 =	vshrl.u32 v19, $0x3;
	v33 =	vmov s6  }
0xac: {  	v16 =	vld [tilespmem:s28+$0x0];
	v41 =	vshrl.u32 v17, $0x3;
	v50 =	vmov s29;
	v9 =	vshll.u32 v9, v1  }
0xad: {  	v22 =	vld [tilespmem:s28+$0xFFFFFFD0];
	v12 =	vshll.u32 v12, v1;
	v18 =	vshll.u32 v11, v1;
	v13 =	vshll.u32 v13, v1  }
0xae: {  	v27 =	vld [tilespmem:s28+$0xFFFFFF60];
	s31 =	simm.s32 $0x8;
	v23 =	vshll.u32 v10, v1;
	v20 =	vshrl.u32 v20, $0x3;
	v33 =	vshrl.u32 v33, $0x3  }
0xaf: {  	s30 =	simm.s32 $0xA;
	v30 =	vld [tilespmem:s28+$0xFFFFFFC0];
	v21 =	vshll.u32 v21, v1;
	v19 =	vshll.u32 v19, v1;
	v60 =	vmov s31  }
0xb0: {  	v32 =	vld [tilespmem:s28+$0xFFFFFFA0];
	v9 =	vbroadcast v9, $0x0;
	v11 =	vbroadcast v12, $0x0;
	v12 =	vmov s30  }
0xb1: {  	v35 =	vld [tilespmem:s28+$0xFFFFFF90];
	v13 =	vbroadcast v13, $0x0;
	v33 =	vshll.u32 v33, v1;
	v19 =	vbroadcast v19, $0x0  }
0xb2: {  	v38 =	vld [tilespmem:s28+$0xFFFFFF20];
	s30 =	simm.s32 $0x7;
	v20 =	vshll.u32 v20, v1;
	v23 =	vbroadcast v23, $0x0;
	v18 =	vbroadcast v18, $0x0  }
0xb3: {  	v61 =	vld [tilespmem:s28+$0xFFFFFF30];
	v21 =	vbroadcast v21, $0x0;
	v12 =	vshrl.u32 v12, $0x3;
	v52 =	vmov s30  }
0xb4: {  	s5 =	simm.s32 $0xE;
	v47 =	vld [tilespmem:s28+$0xFFFFFF50];
	v20 =	vbroadcast v20, $0x0;
	v33 =	vbroadcast v33, $0x0;
	v15 =	vshll.u32 v12, v1  }
0xb5: {  	v62 =	vld [tilespmem:s28+$0xFFFFFF70];
	v25 =	vcvt.s32.f32 v14;
	v26 =	vor.u32 v0, v9;
	v9 =	vmov s5  }
0xb6: {  	v12 =	vshrl.u32 v14, $0xB;
	v14 =	vshrl.u32 v16, $0xB;
	v28 =	vadd.s32 v2, v13  }
0xb7: {  	v13 =	vshrl.u32 v22, $0xB;
	v39 =	vshrl.u32 v30, $0xB;
	v40 =	vshrl.u32 v32, $0xB  }
0xb8: {  	v44 =	vshrl.u32 v35, $0xB;
	v35 =	vcvt.s32.f32 v35;
	v45 =	vshrl.u32 v38, $0xB  }
0xb9: {  	v24 =	vld [tilespmem:s28+$0xFFFFFFF0];
	v48 =	vshrl.u32 v27, $0xB;
	v53 =	vcvt.s32.f32 v61;
	v54 =	vshrl.u32 v47, $0xB  }
0xba: {  	v10 =	vld [tilespmem:s28+$0xFFFFFFE0];
	v56 =	vshrl.u32 v62, $0xB;
	v27 =	vcvt.s32.f32 v27;
	v52 =	vshrl.u32 v52, $0x3  }
0xbb: {  	v23 =	vadd.s32 v5, v23;
	v18 =	vadd.s32 v4, v18;
	v19 =	vadd.s32 v7, v19  }
0xbc: {  	v17 =	vld [tilespmem:s28+$0xFFFFFFB0];
	v47 =	vcvt.s32.f32 v47;
	v32 =	vcvt.s32.f32 v32;
	v29 =	vand.u32 $0xFFF, v12  }
0xbd: {  	v11 =	vadd.s32 v6, v11;
	v31 =	vand.u32 $0xFFF, v14;
	v34 =	vand.u32 $0xFFF, v13  }
0xbe: {  	v12 =	vcvt.s32.f32 v22;
	v14 =	vshrl.u32 v24, $0xB;
	v39 =	vand.u32 $0xFFF, v39  }
0xbf: {  	v22 =	vld [tilespmem:s28+$0xFFFFFF40];
	v44 =	vand.u32 $0xFFF, v44;
	v45 =	vand.u32 $0xFFF, v45;
	v13 =	vshrl.u32 v10, $0xB  }
0xc0: {  	v36 =	vand.u32 $0xFFF, v13;
	v13 =	vcvt.s32.f32 v16;
	v16 =	vcvt.s32.f32 v30;
	v30 =	vld [tilespmem:s28+$0xFFFFFF80]  }
0xc1: {  	v9 =	vshrl.u32 v9, $0x3;
	v51 =	vshrl.u32 v17, $0xB;
	v40 =	vand.u32 $0xFFF, v40;
	v29 =	vld.idx.msk [tilespmem:v29+s10+$0x0], $0xffff  }
0xc2: {  	v63 =	vand.u32 $0xFFF, v48;
	v48 =	vand.u32 $0xFFF, v56;
	v59 =	vand.u32 $0xFFF, v54;
	v34 =	vld.idx.msk [tilespmem:v34+s10+$0x0], $0xffff  }
0xc3: {  	v52 =	vshll.u32 v52, v1;
	v20 =	vadd.s32 v3, v20;
	v51 =	vand.u32 $0xFFF, v51;
	v39 =	vld.idx.msk [tilespmem:v39+s10+$0x0], $0xffff  }
0xc4: {  	v37 =	vand.u32 $0xFFF, v14;
	v14 =	vcvt.s32.f32 v24;
	v24 =	vshrl.u32 v61, $0xB;
	v57 =	vld.idx.msk [tilespmem:v45+s10+$0x0], $0xffff  }
0xc5: {  	v54 =	vshrl.u32 v60, $0x3;
	v55 =	vcvt.s32.f32 v17;
	v24 =	vand.u32 $0xFFF, v24;
	v44 =	vld.idx.msk [tilespmem:v44+s10+$0x0], $0xffff  }
0xc6: {  	v25 =	vmul.f32 $8.262958320e-08, v25;
	v42 =	vshll.u32 v9, v1;
	v9 =	vshrl.u32 v22, $0xB;
	v40 =	vld.idx.msk [tilespmem:v40+s10+$0x0], $0xffff  }
0xc7: {  	v10 =	vcvt.s32.f32 v10;
	v52 =	vbroadcast v52, $0x0;
	v48 =	vld.idx.msk [tilespmem:v48+s10+$0x0], $0xffff;
	v46 =	vand.u32 $0xFFF, v9  }
0xc8: {  	v33 =	vadd.s32 v6, v33;
	v53 =	vmul.f32 $8.262958320e-08, v53;
	v27 =	vmul.f32 $8.262958320e-08, v27;
	v51 =	vld.idx.msk [tilespmem:v51+s10+$0x0], $0xffff  }
0xc9: {  	v54 =	vshll.u32 v54, v1;
	v61 =	vshrl.u32 v50, $0x3;
	v50 =	vmul.f32 $8.262958320e-08, v47;
	v17 =	vld.idx.msk [tilespmem:v37+s10+$0x0], $0xffff  }
0xca: {  	v32 =	vmul.f32 $8.262958320e-08, v32;
	v10 =	vmul.f32 $8.262958320e-08, v10;
	v49 =	vshrl.u32 v30, $0xB;
	v24 =	vld.idx.msk [tilespmem:v24+s10+$0x0], $0xffff  }
0xcb: {  	v22 =	vcvt.s32.f32 v22;
	v9 =	vcvt.s32.f32 v38;
	v58 =	vand.u32 $0xFFF, v49;
	v49 =	vld.idx.msk [tilespmem:v59+s10+$0x0], $0xffff  }
0xcc: {  	v38 =	vcvt.s32.f32 v62;
	v62 =	vbroadcast v54, $0x0;
	v37 =	vshll.u32 v61, v1;
	v46 =	vld.idx.msk [tilespmem:v46+s10+$0x0], $0xffff  }
0xcd: {  	v22 =	vmul.f32 $8.262958320e-08, v22;
	v25 =	vadd.f32 v25, v29;
	v29 =	vmul.f32 $8.262958320e-08, v9;
	v9 =	vld.idx.msk [tilespmem:v31+s10+$0x0], $0xffff  }
0xce: {  	v52 =	vadd.s32 v8, v52;
	v37 =	vbroadcast v37, $0x0;
	v54 =	vcvt.s32.f32 v30;
	v31 =	vld.idx.msk [tilespmem:v63+s10+$0x0], $0xffff  }
0xcf: {  	s13 =	simm.s32 $0xF;
	v36 =	vld.idx.msk [tilespmem:v36+s10+$0x0], $0xffff;
	v59 =	vbroadcast v15, $0x0;
	v15 =	vshll.u32 v41, v1;
	v29 =	vadd.f32 v29, v57  }
0xd0: {  	v43 =	vmov s13;
	v57 =	vadd.s32 v0, v62;
	v24 =	vadd.f32 v53, v24;
	v63 =	vld.idx.msk [tilespmem:v58+s10+$0x0], $0xffff;
	[tilespmem:v26+s21+$0x0] =	vst.idx.msk $0xffff, v25  }
0xd1: {  	v56 =	vmul.f32 $8.262958320e-08, v38;
	v62 =	vadd.f32 v32, v40;
	[tilespmem:v28+s21+$0x0] =	vst.idx.msk $0xffff, v29;
	v22 =	vadd.f32 v22, v46  }
0xd2: {  	v58 =	vadd.s32 v2, v37;
	v60 =	vadd.f32 v50, v49;
	[tilespmem:v20+s21+$0x0] =	vst.idx.msk $0xffff, v24;
	v20 =	vbroadcast v15, $0x0  }
0xd3: {  	v61 =	vmul.f32 $8.262958320e-08, v54;
	v27 =	vadd.f32 v27, v31;
	v15 =	vadd.s32 v4, v21;
	[tilespmem:v18+s21+$0x0] =	vst.idx.msk $0xffff, v22  }
0xd4: {  	v21 =	vadd.f32 v56, v48;
	v22 =	vmul.f32 $8.262958320e-08, v35;
	v18 =	vadd.s32 v5, v20;
	[tilespmem:v23+s21+$0x0] =	vst.idx.msk $0xffff, v60  }
0xd5: {  	v20 =	vmul.f32 $8.262958320e-08, v55;
	v24 =	vadd.f32 v61, v63;
	v23 =	vadd.s32 v3, v59;
	[tilespmem:v33+s21+$0x0] =	vst.idx.msk $0xffff, v27  }
0xd6: {  	v63 =	vbroadcast v42, $0x0;
	v22 =	vadd.f32 v22, v44;
	[tilespmem:v19+s21+$0x0] =	vst.idx.msk $0xffff, v21;
	v19 =	vshrl.u32 v43, $0x3  }
0xd7: {  	v21 =	vadd.f32 v20, v51;
	v20 =	vmul.f32 $8.262958320e-08, v16;
	[tilespmem:v52+s21+$0x0] =	vst.idx.msk $0xffff, v24;
	v19 =	vshll.u32 v19, v1  }
0xd8: {  	v12 =	vmul.f32 $8.262958320e-08, v12;
	v10 =	vadd.f32 v10, v36;
	[tilespmem:v57+s21+$0x0] =	vst.idx.msk $0xffff, v22;
	v22 =	vbroadcast v19, $0x0  }
0xd9: {  	v16 =	vadd.s32 v7, v63;
	v19 =	vadd.f32 v20, v39;
	v20 =	vmul.f32 $8.262958320e-08, v14;
	[tilespmem:v58+s21+$0x0] =	vst.idx.msk $0xffff, v62  }
0xda: {  	s25 =	sadd.s32 $0x1, s25;
	s0 =	simm.s32 $0x1F;
	s28 =	simm.s32 $0x6DF0;
	v14 =	vmul.f32 $8.262958320e-08, v13;
	v13 =	vadd.f32 v12, v34;
	[tilespmem:v23+s21+$0x0] =	vst.idx.msk $0xffff, v21;
	v12 =	vadd.s32 v8, v22  }
.LBB2_9:
0xdb: {  	s1 =	sadd.s32 $0xFFFFFFF1, s0  }
0xdc: {  	s5 =	sadd.s32 $0xFFFFFFF4, s0;
	s6 =	sadd.s32 $0xFFFFFFF5, s0;
	v17 =	vadd.f32 v20, v17;
	v9 =	vadd.f32 v14, v9;
	[tilespmem:v15+s21+$0x0] =	vst.idx.msk $0xffff, v19;
	s30 =	smov.u32 s0  }
0xdd: {  	s31 =	sadd.s32 $0xFFFFFFFA, s0;
	s13 =	sadd.s32 $0xFFFFFFFB, s0;
	s29 =	sadd.s32 $0xFFFFFFFE, s0;
	v14 =	vmov s1;
	v15 =	vmov s5;
	v19 =	vmov s6;
	[tilespmem:v18+s21+$0x0] =	vst.idx.msk $0xffff, v13  }
0xde: {  	s1 =	sadd.s32 $0xFFFFFFF2, s30;
	s5 =	sadd.s32 $0xFFFFFFFD, s30;
	v18 =	vmov s29;
	s29 =	sadd.s32 $0x10, s0;
	v13 =	vshrl.u32 v14, $0x3;
	v14 =	vshrl.u32 v19, $0x3;
	[tilespmem:v11+s21+$0x0] =	vst.idx.msk $0xffff, v10  }
0xdf: {  	p0 =	sne.s32 s0, $0x7F;
	s6 =	sadd.s32 $0xFFFFFFF3, s30;
	v11 =	vshrl.u32 v15, $0x3;
	v20 =	vmov s5;
	v10 =	vshll.u32 v13, v1;
	[tilespmem:v16+s21+$0x0] =	vst.idx.msk $0xffff, v17  }
0xe0: {  	s0 =	sadd.s32 $0xFFFFFFF7, s30;
	s5 =	sadd.s32 $0xFFFFFFFC, s30;
	v15 =	vshrl.u32 v18, $0x3;
	v13 =	vmov s1;
	v10 =	vbroadcast v10, $0x0;
	[tilespmem:v12+s21+$0x0] =	vst.idx.msk $0xffff, v9  }
0xe1: {  	v15 =	vshll.u32 v15, v1;
	v12 =	vshrl.u32 v13, $0x3;
	v13 =	vmov s5;
	v9 =	vld [tilespmem:s28+$0xFFFFFF10]  }
0xe2: {  	v18 =	vmov s0;
	s1 =	sadd.s32 $0xFFFFFFF6, s30;
	v17 =	vshll.u32 v11, v1;
	v11 =	vbroadcast v15, $0x0;
	v16 =	vld [tilespmem:s28+$0x0]  }
0xe3: {  	v21 =	vmov s6;
	v15 =	vmov s13;
	v24 =	vshrl.u32 v13, $0x3;
	v23 =	vld [tilespmem:s28+$0xFFFFFFE0]  }
0xe4: {  	v25 =	vshll.u32 v14, v1;
	v12 =	vshll.u32 v12, v1;
	v14 =	vshrl.u32 v15, $0x3;
	v13 =	vld [tilespmem:s28+$0xFFFFFFD0]  }
0xe5: {  	s0 =	sadd.s32 $0xFFFFFFFF, s30;
	v27 =	vshrl.u32 v18, $0x3;
	v12 =	vbroadcast v12, $0x0;
	v15 =	vshll.u32 v14, v1;
	v26 =	vld [tilespmem:s28+$0xFFFFFFF0]  }
0xe6: {  	v19 =	vor.u32 v0, v10;
	v10 =	vmov s0;
	v14 =	vcvt.s32.f32 v9;
	v28 =	vld [tilespmem:s28+$0xFFFFFF60]  }
0xe7: {  	v18 =	vadd.s32 v2, v12;
	v9 =	vshrl.u32 v9, $0xB;
	v22 =	vld [tilespmem:s28+$0xFFFFFFA0];
	v29 =	vshrl.u32 v16, $0xB  }
0xe8: {  	v31 =	vmov s1;
	v9 =	vand.u32 $0xFFF, v9;
	v30 =	vld [tilespmem:s28+$0xFFFFFFC0];
	v29 =	vand.u32 $0xFFF, v29  }
0xe9: {  	v34 =	vshrl.u32 v21, $0x3;
	v32 =	vld [tilespmem:s28+$0xFFFFFF40];
	v33 =	vshrl.u32 v13, $0xB;
	v12 =	vcvt.s32.f32 v13  }
0xea: {  	s0 =	sadd.s32 $0xFFFFFFF8, s30;
	v13 =	vshrl.u32 v23, $0xB;
	v35 =	vld [tilespmem:s28+$0xFFFFFF30];
	v33 =	vand.u32 $0xFFF, v33;
	v21 =	vshrl.u32 v26, $0xB  }
0xeb: {  	v36 =	vmul.f32 $8.262958320e-08, v14;
	v38 =	vand.u32 $0xFFF, v13;
	v37 =	vld [tilespmem:s28+$0xFFFFFF90];
	v39 =	vand.u32 $0xFFF, v21  }
0xec: {  	v14 =	vcvt.s32.f32 v16;
	v13 =	vcvt.s32.f32 v26;
	v21 =	vshrl.u32 v31, $0x3;
	v40 =	vld [tilespmem:s28+$0xFFFFFF20]  }
0xed: {  	v26 =	vld [tilespmem:s28+$0xFFFFFF80];
	v31 =	vshrl.u32 v30, $0xB;
	v16 =	vcvt.s32.f32 v30;
	v30 =	vshll.u32 v21, v1  }
0xee: {  	v10 =	vshrl.u32 v10, $0x3;
	v41 =	vshrl.u32 v22, $0xB;
	v9 =	vld.idx.msk [tilespmem:v9+s10+$0x0], $0xffff;
	v31 =	vand.u32 $0xFFF, v31  }
0xef: {  	v43 =	vshrl.u32 v20, $0x3;
	v20 =	vmov s30;
	v21 =	vshll.u32 v10, v1;
	v42 =	vld [tilespmem:s28+$0xFFFFFFB0]  }
0xf0: {  	v10 =	vshrl.u32 v32, $0xB;
	v44 =	vld [tilespmem:s28+$0xFFFFFF70];
	v45 =	vshrl.u32 v37, $0xB;
	v37 =	vcvt.s32.f32 v37  }
0xf1: {  	v10 =	vand.u32 $0xFFF, v10;
	v46 =	vshrl.u32 v40, $0xB;
	v47 =	vld [tilespmem:s28+$0xFFFFFF50];
	v45 =	vand.u32 $0xFFF, v45  }
0xf2: {  	v32 =	vcvt.s32.f32 v32;
	v40 =	vcvt.s32.f32 v40;
	v46 =	vand.u32 $0xFFF, v46  }
0xf3: {  	v23 =	vcvt.s32.f32 v23;
	v48 =	vshrl.u32 v28, $0xB;
	v49 =	vshrl.u32 v26, $0xB  }
0xf4: {  	v50 =	vmov s31;
	v36 =	vadd.f32 v36, v9;
	v40 =	vmul.f32 $8.262958320e-08, v40  }
0xf5: {  	v24 =	vshll.u32 v24, v1;
	v52 =	vmov s0;
	v51 =	vshrl.u32 v42, $0xB;
	v38 =	vld.idx.msk [tilespmem:v38+s10+$0x0], $0xffff  }
0xf6: {  	v23 =	vmul.f32 $8.262958320e-08, v23;
	v53 =	vcvt.s32.f32 v35;
	v54 =	vshrl.u32 v47, $0xB;
	v9 =	vld.idx.msk [tilespmem:v29+s10+$0x0], $0xffff  }
0xf7: {  	v27 =	vshll.u32 v27, v1;
	v29 =	vshrl.u32 v35, $0xB;
	v35 =	vand.u32 $0xFFF, v41;
	v33 =	vld.idx.msk [tilespmem:v33+s10+$0x0], $0xffff  }
0xf8: {  	v28 =	vcvt.s32.f32 v28;
	v48 =	vand.u32 $0xFFF, v48;
	v41 =	vld.idx.msk [tilespmem:v10+s10+$0x0], $0xffff;
	v10 =	vshrl.u32 v44, $0xB  }
0xf9: {  	v34 =	vshll.u32 v34, v1;
	v27 =	vbroadcast v27, $0x0;
	v55 =	vand.u32 $0xFFF, v10;
	v31 =	vld.idx.msk [tilespmem:v31+s10+$0x0], $0xffff  }
0xfa: {  	v52 =	vshrl.u32 v52, $0x3;
	v32 =	vmul.f32 $8.262958320e-08, v32;
	v51 =	vand.u32 $0xFFF, v51;
	v46 =	vld.idx.msk [tilespmem:v46+s10+$0x0], $0xffff  }
0xfb: {  	v29 =	vand.u32 $0xFFF, v29;
	v10 =	vadd.f32 v23, v38;
	v23 =	vbroadcast v34, $0x0;
	v45 =	vld.idx.msk [tilespmem:v45+s10+$0x0], $0xffff  }
0xfc: {  	v17 =	vbroadcast v17, $0x0;
	v25 =	vbroadcast v25, $0x0;
	v34 =	vand.u32 $0xFFF, v49;
	v35 =	vld.idx.msk [tilespmem:v35+s10+$0x0], $0xffff  }
0xfd: {  	s0 =	sadd.s32 $0xFFFFFFF9, s30;
	v38 =	vand.u32 $0xFFF, v54;
	v49 =	vshll.u32 v52, v1;
	v23 =	vadd.s32 v3, v23;
	v48 =	vld.idx.msk [tilespmem:v48+s10+$0x0], $0xffff  }
0xfe: {  	v25 =	vadd.s32 v5, v25;
	v54 =	vmov s0;
	v49 =	vbroadcast v49, $0x0;
	v52 =	vld.idx.msk [tilespmem:v55+s10+$0x0], $0xffff  }
0xff: {  	v27 =	vadd.s32 v7, v27;
	v54 =	vshrl.u32 v54, $0x3;
	v55 =	vadd.s32 v4, v17;
	v51 =	vld.idx.msk [tilespmem:v51+s10+$0x0], $0xffff  }
0x100: {  	v28 =	vmul.f32 $8.262958320e-08, v28;
	v53 =	vmul.f32 $8.262958320e-08, v53;
	v17 =	vld.idx.msk [tilespmem:v39+s10+$0x0], $0xffff;
	v39 =	vshll.u32 v54, v1  }
0x101: {  	v42 =	vcvt.s32.f32 v42;
	v47 =	vcvt.s32.f32 v47;
	v49 =	vadd.s32 v8, v49;
	v29 =	vld.idx.msk [tilespmem:v29+s10+$0x0], $0xffff  }
0x102: {  	v32 =	vadd.f32 v32, v41;
	v41 =	vcvt.s32.f32 v44;
	v44 =	vshrl.u32 v50, $0x3;
	v38 =	vld.idx.msk [tilespmem:v38+s10+$0x0], $0xffff  }
0x103: {  	v22 =	vcvt.s32.f32 v22;
	v44 =	vshll.u32 v44, v1;
	v39 =	vbroadcast v39, $0x0;
	v34 =	vld.idx.msk [tilespmem:v34+s10+$0x0], $0xffff  }
0x104: {  	v40 =	vadd.f32 v40, v46;
	[tilespmem:v19+s21+$0x0] =	vst.idx.msk $0xffff, v36;
	v19 =	vbroadcast v30, $0x0;
	v30 =	vbroadcast v44, $0x0  }
0x105: {  	v26 =	vcvt.s32.f32 v26;
	v28 =	vadd.f32 v28, v48;
	v36 =	vmul.f32 $8.262958320e-08, v47  }
0x106: {  	v41 =	vmul.f32 $8.262958320e-08, v41;
	v39 =	vadd.s32 v0, v39;
	[tilespmem:v18+s21+$0x0] =	vst.idx.msk $0xffff, v40;
	v30 =	vadd.s32 v2, v30  }
0x107: {  	v24 =	vbroadcast v24, $0x0;
	v18 =	vadd.f32 v53, v29;
	v19 =	vadd.s32 v6, v19  }
0x108: {  	v29 =	vadd.f32 v36, v38;
	v36 =	vbroadcast v15, $0x0;
	v38 =	vshll.u32 v43, v1  }
0x109: {  	v22 =	vmul.f32 $8.262958320e-08, v22;
	v15 =	vadd.s32 v4, v24;
	[tilespmem:v23+s21+$0x0] =	vst.idx.msk $0xffff, v18;
	v18 =	vbroadcast v38, $0x0  }
0x10a: {  	v24 =	vmul.f32 $8.262958320e-08, v26;
	v26 =	vmul.f32 $8.262958320e-08, v42;
	v23 =	vadd.f32 v41, v52;
	[tilespmem:v55+s21+$0x0] =	vst.idx.msk $0xffff, v32  }
0x10b: {  	v32 =	vmul.f32 $8.262958320e-08, v37;
	[tilespmem:v25+s21+$0x0] =	vst.idx.msk $0xffff, v29;
	v25 =	vadd.s32 v3, v36;
	v18 =	vadd.s32 v5, v18  }
0x10c: {  	v22 =	vadd.f32 v22, v35;
	v24 =	vadd.f32 v24, v34;
	[tilespmem:v19+s21+$0x0] =	vst.idx.msk $0xffff, v28;
	v19 =	vbroadcast v21, $0x0  }
.Ltmp4:
0x10d: {  	v20 =	vshrl.u32 v20, $0x3;
	v26 =	vadd.f32 v26, v51;
	v21 =	vadd.f32 v32, v45;
	[tilespmem:v27+s21+$0x0] =	vst.idx.msk $0xffff, v23;
	(pc) =	sbr.rel @p0 .LBB2_9-.Ltmp4, $4  }
0x10e: {  	v23 =	vmul.f32 $8.262958320e-08, v16;
	[tilespmem:v49+s21+$0x0] =	vst.idx.msk $0xffff, v24;
	v16 =	vadd.s32 v7, v19;
	v19 =	vshll.u32 v20, v1  }
0x10f: {  	v11 =	vadd.s32 v6, v11;
	v12 =	vmul.f32 $8.262958320e-08, v12;
	[tilespmem:v39+s21+$0x0] =	vst.idx.msk $0xffff, v21;
	v21 =	vbroadcast v19, $0x0  }
0x110: {  	v14 =	vmul.f32 $8.262958320e-08, v14;
	v20 =	vmul.f32 $8.262958320e-08, v13;
	v19 =	vadd.f32 v23, v31;
	[tilespmem:v30+s21+$0x0] =	vst.idx.msk $0xffff, v22  }
0x111: {  	s28 =	sadd.s32 $0x100, s28;
	s0 =	smov.u32 s29;
	v13 =	vadd.f32 v12, v33;
	[tilespmem:v25+s21+$0x0] =	vst.idx.msk $0xffff, v26;
	v12 =	vadd.s32 v8, v21  }
0x112: {  	_ =	sdelay $0x3  }
0x113: {  	[tilespmem:v15+s21+$0x0] =	vst.idx.msk $0xffff, v19  }
0x114: {  	v63 =	vadd.f32 v20, v17;
	s0 =	sshll.u32 s26, $0x10;
	[tilespmem:v18+s21+$0x0] =	vst.idx.msk $0xffff, v13  }
0x115: {  	v9 =	vadd.f32 v14, v9;
	p0 =	sne.s32 s25, $0x64;
	s0 =	sor.u32 s7, s0;
	[tilespmem:v11+s21+$0x0] =	vst.idx.msk $0xffff, v10  }
.Ltmp5:
0x116: {  	s0 =	sshrl.u32 s0, $0x3;
	[tilespmem:v16+s21+$0x0] =	vst.idx.msk $0xffff, v63;
	(pc) =	sbr.rel @p0 .LBB2_2-.Ltmp5, $4  }
0x117: {  	s1 =	sadd.s32 s2, s0;
	[tilespmem:v12+s21+$0x0] =	vst.idx.msk $0xffff, v9  }
0x118: {  	[hbm4b:s1+s3] =	stream.linear.scatter [tilespmem:s21], [sflag:$0x4], $0x400, $0x38;
	[tilespmem:$0x9400] =	vst v63  }
0x119: {  	s0 =	sadd.s32 s0, s8  }
0x11a: {  	[hbm4b:s0+s3] =	stream.linear.scatter [tilespmem:s22], [sflag:$0x4], $0x400, $0x38;
	[tilespmem:$0x9400] =	vst v63  }
0x11b: {  	_ =	swait.ge [sflag:s23], $0x400  }
0x11c: {  	[sflag:s23] =	ssyncset.done $0x0  }
0x11d: {  	[sflag:s23] =	ssyncadd.s32 $0xFFFFFC00  }
0x11e: {  	_ =	swait.ge [sflag:s23], $0x400  }
0x11f: {  	[sflag:s23] =	ssyncset.done $0x0  }
0x120: {  	s24 =	sadd.s32 $0x1, s24;
	[sflag:s23] =	ssyncadd.s32 $0xFFFFFC00  }
0x121: {  	p0 =	sne.s32 s24, s9;
	_ =	swait.ge [sflag:s20], $0x400  }
.Ltmp6:
0x122: {  	[sflag:s20] =	ssyncset.done $0x0;
	(pc) =	sbr.rel @p0 .LBB2_1-.Ltmp6, $4  }
0x123: {  	[sflag:s20] =	ssyncadd.s32 $0xFFFFFC00  }
0x124: {  	_ =	swait.ge [sflag:s20], $0x400  }
0x125: {  	[sflag:s20] =	ssyncset.done $0x0  }
0x126: {  	[sflag:s20] =	ssyncadd.s32 $0xFFFFFC00  }
0x127: {  	_ =	sfence.sel $0x180000  }
0x128: {  	[bflag:$0x0] =	sbarrier.arrive $0xFFFF  }
0x129: {  	_ =	strace $0x90000047  }
0x12a: {  	s0 =	stileid.u32;
	[bflag:$0x2] =	sbarrier.arrive $0xFFFF  }
0x12b: {  	p0 =	sne.s32 s0, $0x0;
	s0 =	rddreg [dreg:$0x2]  }
0x12c: {  	s0 =	sadd.s32 @!p0 $0x100000, s0  }
0x12d: {  	[sflag:s0] =	ssyncadd.tile.s32 @!p0 $0x1;
	_ =	shalt  }
.Lfunc_end2:
_tile_overlayer_lowered:
.L_overlay_start_2:
0x12e: {  	(tag) =	ssettag $0x2  }
0x12f: {  	s0 =	rddreg [dreg:$0x0];
	s2 =	stileid.u32  }
0x130: {  	s1 =	rddreg [dreg:$0x1];
	p0 =	sne.s32 s2, $0x0  }
0x131: {  	s3 =	rddreg [dreg:$0x2];
	[bflag:$0x3] =	sbarrier.arrive $0xFFFF;
	s2 =	simm.s32 @!p0 $0x1C05  }
0x132: {  	[timem:s3], [sflag:s2] =	dma.local @!p0 [hbm:s0], s1  }
0x133: {  	s0 =	simm.s32 @!p0 $0x5  }
0x134: {  	_ =	swait.ge @!p0 [sflag:s0], s1  }
0x135: {  	s1 =	ssub.s32 @!p0 $0x0, s1;
	[sflag:s0] =	ssyncset.done @!p0 $0x0  }
0x136: {  	[sflag:s0] =	ssyncadd.s32 @!p0 s1  }
0x137: {  	[bflag:$0x3] =	sbarrier.arrive $0xFFFF  }
0x138: {  	_ =	shalt  }

</sc_bundles>
